<compile_context>
chip_gen: v7x
topology: tpu7x:2x2x1
jax: 0.10.2.dev20260603
libtpu: 0.0.44.dev20260713+nightly
codegen_flags: <defaults>
</compile_context>

<pallas_src>
import jax
import jax.numpy as jnp
from jax import lax
from jax.experimental import pallas as pl
from jax.experimental.pallas import tpu as pltpu
from jax.experimental.pallas import tpu_sc as plsc

NUM_CORES = 2
NUM_SUBCORES = 16
NW = NUM_CORES * NUM_SUBCORES
NBUF = 4


def _emb_body(x_hbm, w_hbm, out_hbm, idx_v,
              b0, b1, b2, b3, g0, g1, g2, g3, s0, s1, s2, s3):
    nct = x_hbm.shape[0]
    ib = out_hbm.shape[0] // 128
    npw = nct // NW
    wid = lax.axis_index("s") * NUM_CORES + lax.axis_index("c")
    base = wid * npw
    pltpu.sync_copy(x_hbm.at[pl.ds(base, npw)], idx_v)

    bufs = (b0, b1, b2, b3)
    gsems = (g0, g1, g2, g3)
    ssems = (s0, s1, s2, s3)

    def out_slice(m):
        j = m // ib
        iblk = m % ib
        return out_hbm.at[pl.ds(iblk * 128, 128), j, pl.ds(0, 64)]

    for b in range(NBUF - 1):
        pltpu.async_copy(w_hbm.at[idx_v.at[b]], bufs[b], gsems[b])

    def body(i, carry):
        t0 = i * NBUF
        for b in range(NBUF):
            t = t0 + b
            pltpu.make_async_copy(w_hbm.at[idx_v.at[t]], bufs[b],
                                  gsems[b]).wait()
            pltpu.async_copy(bufs[b], out_slice(base + t), ssems[b])
            nb = (b + NBUF - 1) % NBUF
            tn = t + NBUF - 1

            @pl.when(tn < npw)
            def _(nb=nb, tn=tn):
                @pl.when(tn >= NBUF)
                def _():
                    pltpu.make_async_copy(
                        bufs[nb], out_slice(base), ssems[nb]).wait()
                pltpu.async_copy(w_hbm.at[idx_v.at[tn]], bufs[nb], gsems[nb])
        return carry

    lax.fori_loop(0, npw // NBUF, body, 0)
    for b in range(NBUF):
        pltpu.make_async_copy(bufs[b], out_slice(base), ssems[b]).wait()


def kernel(x, W):
    B, S = x.shape
    V, D = W.shape
    ib = B // 128
    nct = S * ib
    x_r = (x.astype(jnp.int32) * 2).T.reshape(nct, 128)
    W = jnp.pad(W, ((0, 0), (0, D))).reshape(2 * V, D)

    mesh = plsc.VectorSubcoreMesh(core_axis_name="c", subcore_axis_name="s")
    out = pl.kernel(
        _emb_body,
        out_type=jax.ShapeDtypeStruct((B, 32, 128), jnp.float32),
        mesh=mesh,
        scratch_types=(
            [pltpu.VMEM((nct // NW, 128), jnp.int32)]
            + [pltpu.VMEM((128, D), jnp.float32)] * NBUF
            + [pltpu.SemaphoreType.DMA] * (2 * NBUF)
        ),
        compiler_params=pltpu.CompilerParams(use_tc_tiling_on_sc=False),
    )(x_r, W)
    return out[:, :S, :D]

# --- scband reference (transcript-rebuilt; emitter-appended) ---
"""Pipeline reference for scband-embedding-15685220565149 (READ-ONLY COPY).

The authoritative reference and input builder live on the scoring server;
editing this copy changes nothing except your own understanding.
"""

import jax, jax.numpy as jnp
import numpy as np

NUM_EMBEDDINGS = 1000000
EMBEDDING_DIM = 64

def setup_inputs(seed: int = 0) -> dict:
    key = jax.random.key(seed)
    k_idx, k_w = jax.random.split(key)
    x = jax.random.randint(k_idx, (16384, 26), 0, NUM_EMBEDDINGS, dtype=jnp.int64 if jax.config.jax_enable_x64 else jnp.int32)
    # truncated normal init in [-3, 3], mean 0, std 1
    W = jax.random.truncated_normal(k_w, -3.0, 3.0, (NUM_EMBEDDINGS, EMBEDDING_DIM), dtype=jnp.float32)
    return {"x": x, "W": W}

def reference(x, W):
    # Embedding lookup: W[x]
    return jnp.take(W, x, axis=0)

if __name__ == "__main__":
    import jax
    _d = setup_inputs()
    print(jax.jit(kernel)(*tuple(_d.values())))

</pallas_src>

<mosaic_0001>
#map = affine_map<(d0, d1) -> (0, 0)>
#map1 = affine_map<(d0, d1) -> (0, 0, 0)>
module attributes {stable_mosaic.version = 14 : i64} {
  func.func @_emb_body(%arg0: i32, %arg1: i32, %arg2: memref<3328x128xi32, #tpu.memory_space<hbm>>, %arg3: memref<2000000x64xf32, #tpu.memory_space<hbm>>, %arg4: memref<16384x32x128xf32, #tpu.memory_space<hbm>>, %arg5: memref<104x128xi32, #tpu.memory_space<vmem>>, %arg6: memref<128x64xf32, #tpu.memory_space<vmem>>, %arg7: memref<128x64xf32, #tpu.memory_space<vmem>>, %arg8: memref<128x64xf32, #tpu.memory_space<vmem>>, %arg9: memref<128x64xf32, #tpu.memory_space<vmem>>, %arg10: memref<!tpu.dma_semaphore, #tpu.memory_space<semaphore_mem>>, %arg11: memref<!tpu.dma_semaphore, #tpu.memory_space<semaphore_mem>>, %arg12: memref<!tpu.dma_semaphore, #tpu.memory_space<semaphore_mem>>, %arg13: memref<!tpu.dma_semaphore, #tpu.memory_space<semaphore_mem>>, %arg14: memref<!tpu.dma_semaphore, #tpu.memory_space<semaphore_mem>>, %arg15: memref<!tpu.dma_semaphore, #tpu.memory_space<semaphore_mem>>, %arg16: memref<!tpu.dma_semaphore, #tpu.memory_space<semaphore_mem>>, %arg17: memref<!tpu.dma_semaphore, #tpu.memory_space<semaphore_mem>>) attributes {dimension_semantics = [#tpu.dimension_semantics<core_parallel>, #tpu.dimension_semantics<subcore_parallel>], iteration_bounds = array<i64: 2, 16>, scalar_prefetch = 0 : i64, scratch_operands = 13 : i64, tpu.core_type = #tpu.core_type<sc_vector_subcore>, window_params = [{transform_indices = #map}, {transform_indices = #map}, {transform_indices = #map1}]} {
    %mul3A = arith.constant 2 : i32
    %mul3A_0 = arith.muli %arg1, %mul3A : i32
    %add3A = arith.addi %mul3A_0, %arg0 : i32
    %mul3A_1 = arith.constant 104 : i32
    %mul3A_2 = arith.muli %add3A, %mul3A_1 : i32
    "tpu.region"() ({
      %run_scoped3A = tpu.sem_alloc : memref<!tpu.dma_semaphore, #tpu.memory_space<semaphore_mem>>
      %dma_start3A_209 = arith.constant 0 : i32
      %dma_start3A_210 = tpu.memref_slice %arg2[%mul3A_2, %dma_start3A_209] : memref<3328x128xi32, #tpu.memory_space<hbm>> -> memref<104x128xi32, #tpu.memory_space<hbm>>
      %dma_start3A_211 = arith.constant 0 : i32
      %dma_start3A_212 = tpu.memref_slice %arg2[%mul3A_2, %dma_start3A_211] : memref<3328x128xi32, #tpu.memory_space<hbm>> -> memref<104x128xi32, #tpu.memory_space<hbm>>
      tpu.enqueue_dma source(%dma_start3A_212 : memref<104x128xi32, #tpu.memory_space<hbm>>) target(%arg5 : memref<104x128xi32, #tpu.memory_space<vmem>>) target_semaphore(%run_scoped3A : memref<!tpu.dma_semaphore, #tpu.memory_space<semaphore_mem>>)
      %dma_wait3A_213 = arith.constant 0 : i32
      %dma_wait3A_214 = tpu.memref_slice %arg2[%mul3A_2, %dma_wait3A_213] : memref<3328x128xi32, #tpu.memory_space<hbm>> -> memref<104x128xi32, #tpu.memory_space<hbm>>
      %dma_wait3A_215 = arith.constant 0 : i32
      %dma_wait3A_216 = tpu.memref_slice %arg2[%mul3A_2, %dma_wait3A_215] : memref<3328x128xi32, #tpu.memory_space<hbm>> -> memref<104x128xi32, #tpu.memory_space<hbm>>
      tpu.wait_dma2 semaphore(%run_scoped3A : memref<!tpu.dma_semaphore, #tpu.memory_space<semaphore_mem>>) src(%dma_wait3A_216 : memref<104x128xi32, #tpu.memory_space<hbm>>) dst(%arg5 : memref<104x128xi32, #tpu.memory_space<vmem>>)
      tpu.yield
    }) : () -> ()
    %dma_start3A = arith.constant 0 : i32
    %dma_start3A_3 = arith.constant 0 : i32
    %dma_start3A_4 = tpu.memref_slice %arg5[%dma_start3A, %dma_start3A_3] : memref<104x128xi32, #tpu.memory_space<vmem>> -> memref<1x128xi32, #tpu.memory_space<vmem>>
    %dma_start3A_5 = tpu.memref_squeeze %dma_start3A_4 : memref<1x128xi32, #tpu.memory_space<vmem>> -> memref<128xi32, #tpu.memory_space<vmem>>
    %dma_start3A_6 = arith.constant 0 : i32
    %dma_start3A_7 = arith.constant 0 : i32
    %dma_start3A_8 = tpu.memref_slice %arg3[%dma_start3A_6, %dma_start3A_7] : memref<2000000x64xf32, #tpu.memory_space<hbm>> -> memref<2000000x64xf32, #tpu.memory_space<hbm>>
    tpu.enqueue_indirect_dma source(%dma_start3A_8 : memref<2000000x64xf32, #tpu.memory_space<hbm>>) target(%arg6 : memref<128x64xf32, #tpu.memory_space<vmem>>) offsets(%dma_start3A_5 : memref<128xi32, #tpu.memory_space<vmem>>) semaphore(%arg10 : memref<!tpu.dma_semaphore, #tpu.memory_space<semaphore_mem>>)
    %dma_start3A_9 = arith.constant 1 : i32
    %dma_start3A_10 = arith.constant 0 : i32
    %dma_start3A_11 = tpu.memref_slice %arg5[%dma_start3A_9, %dma_start3A_10] : memref<104x128xi32, #tpu.memory_space<vmem>> -> memref<1x128xi32, #tpu.memory_space<vmem>>
    %dma_start3A_12 = tpu.memref_squeeze %dma_start3A_11 : memref<1x128xi32, #tpu.memory_space<vmem>> -> memref<128xi32, #tpu.memory_space<vmem>>
    %dma_start3A_13 = arith.constant 0 : i32
    %dma_start3A_14 = arith.constant 0 : i32
    %dma_start3A_15 = tpu.memref_slice %arg3[%dma_start3A_13, %dma_start3A_14] : memref<2000000x64xf32, #tpu.memory_space<hbm>> -> memref<2000000x64xf32, #tpu.memory_space<hbm>>
    tpu.enqueue_indirect_dma source(%dma_start3A_15 : memref<2000000x64xf32, #tpu.memory_space<hbm>>) target(%arg7 : memref<128x64xf32, #tpu.memory_space<vmem>>) offsets(%dma_start3A_12 : memref<128xi32, #tpu.memory_space<vmem>>) semaphore(%arg11 : memref<!tpu.dma_semaphore, #tpu.memory_space<semaphore_mem>>)
    %dma_start3A_16 = arith.constant 2 : i32
    %dma_start3A_17 = arith.constant 0 : i32
    %dma_start3A_18 = tpu.memref_slice %arg5[%dma_start3A_16, %dma_start3A_17] : memref<104x128xi32, #tpu.memory_space<vmem>> -> memref<1x128xi32, #tpu.memory_space<vmem>>
    %dma_start3A_19 = tpu.memref_squeeze %dma_start3A_18 : memref<1x128xi32, #tpu.memory_space<vmem>> -> memref<128xi32, #tpu.memory_space<vmem>>
    %dma_start3A_20 = arith.constant 0 : i32
    %dma_start3A_21 = arith.constant 0 : i32
    %dma_start3A_22 = tpu.memref_slice %arg3[%dma_start3A_20, %dma_start3A_21] : memref<2000000x64xf32, #tpu.memory_space<hbm>> -> memref<2000000x64xf32, #tpu.memory_space<hbm>>
    tpu.enqueue_indirect_dma source(%dma_start3A_22 : memref<2000000x64xf32, #tpu.memory_space<hbm>>) target(%arg8 : memref<128x64xf32, #tpu.memory_space<vmem>>) offsets(%dma_start3A_19 : memref<128xi32, #tpu.memory_space<vmem>>) semaphore(%arg12 : memref<!tpu.dma_semaphore, #tpu.memory_space<semaphore_mem>>)
    %scan3A = arith.constant 0 : i32
    %scan3A_23 = arith.constant 0 : i32
    %scan3A_24 = arith.constant 26 : i32
    %scan3A_25 = arith.addi %scan3A_23, %scan3A_24 : i32
    %scan3A_26 = arith.constant 1 : i32
    scf.for %scan3A_209 = %scan3A_23 to %scan3A_25 step %scan3A_26  : i32 {
      %mul3A_210 = arith.constant 4 : i32
      %mul3A_211 = arith.muli %scan3A_209, %mul3A_210 : i32
      %add3A_212 = arith.constant 0 : i32
      %add3A_213 = arith.addi %mul3A_211, %add3A_212 : i32
      %dma_wait3A_214 = arith.constant 0 : i32
      %dma_wait3A_215 = tpu.memref_slice %arg5[%add3A_213, %dma_wait3A_214] : memref<104x128xi32, #tpu.memory_space<vmem>> -> memref<1x128xi32, #tpu.memory_space<vmem>>
      %dma_wait3A_216 = tpu.memref_squeeze %dma_wait3A_215 : memref<1x128xi32, #tpu.memory_space<vmem>> -> memref<128xi32, #tpu.memory_space<vmem>>
      %dma_wait3A_217 = arith.constant 0 : i32
      %dma_wait3A_218 = arith.constant 0 : i32
      %dma_wait3A_219 = tpu.memref_slice %arg3[%dma_wait3A_217, %dma_wait3A_218] : memref<2000000x64xf32, #tpu.memory_space<hbm>> -> memref<2000000x64xf32, #tpu.memory_space<hbm>>
      tpu.wait_indirect_dma semaphore(%arg10 : memref<!tpu.dma_semaphore, #tpu.memory_space<semaphore_mem>>) src(%dma_wait3A_219 : memref<2000000x64xf32, #tpu.memory_space<hbm>>) dst(%arg6 : memref<128x64xf32, #tpu.memory_space<vmem>>)
      %add3A_220 = arith.addi %mul3A_2, %add3A_213 : i32
      %jit3A_221 = arith.constant 128 : i32
      %div3A_222 = arith.divsi %add3A_220, %jit3A_221 : i32
      %sign3A_223 = arith.constant 0 : i32
      %sign3A_224 = arith.cmpi sgt, %add3A_220, %sign3A_223 : i32
      %sign3A_225 = arith.extui %sign3A_224 : i1 to i32
      %sign3A_226 = arith.constant 0 : i32
      %sign3A_227 = arith.cmpi slt, %add3A_220, %sign3A_226 : i32
      %sign3A_228 = arith.extui %sign3A_227 : i1 to i32
      %sign3A_229 = arith.subi %sign3A_225, %sign3A_228 : i32
      %sign3A_230 = arith.constant 0 : i32
      %sign3A_231 = arith.cmpi sgt, %jit3A_221, %sign3A_230 : i32
      %sign3A_232 = arith.extui %sign3A_231 : i1 to i32
      %sign3A_233 = arith.constant 0 : i32
      %sign3A_234 = arith.cmpi slt, %jit3A_221, %sign3A_233 : i32
      %sign3A_235 = arith.extui %sign3A_234 : i1 to i32
      %sign3A_236 = arith.subi %sign3A_232, %sign3A_235 : i32
      %ne3A_237 = arith.cmpi ne, %sign3A_229, %sign3A_236 : i32
      %rem3A_238 = arith.remsi %add3A_220, %jit3A_221 : i32
      %ne3A_239 = arith.constant 0 : i32
      %ne3A_240 = arith.cmpi ne, %rem3A_238, %ne3A_239 : i32
      %and3A_241 = arith.andi %ne3A_237, %ne3A_240 : i1
      %sub3A_242 = arith.constant 1 : i32
      %sub3A_243 = arith.subi %div3A_222, %sub3A_242 : i32
      %select_n3A_244 = arith.select %and3A_241, %sub3A_243, %div3A_222 : i32
      %jit3A_245 = arith.constant 128 : i32
      %eq3A_246 = arith.constant 0 : i32
      %eq3A_247 = arith.cmpi eq, %jit3A_245, %eq3A_246 : i32
      %jit3A_248 = arith.constant 1 : i32
      %select_n3A_249 = arith.select %eq3A_247, %jit3A_248, %jit3A_245 : i32
      %rem3A_250 = arith.remsi %add3A_220, %select_n3A_249 : i32
      %ne3A_251 = arith.constant 0 : i32
      %ne3A_252 = arith.cmpi ne, %rem3A_250, %ne3A_251 : i32
      %lt3A_253 = arith.constant 0 : i32
      %lt3A_254 = arith.cmpi slt, %rem3A_250, %lt3A_253 : i32
      %lt3A_255 = arith.constant 0 : i32
      %lt3A_256 = arith.cmpi slt, %select_n3A_249, %lt3A_255 : i32
      %ne3A_257 = arith.xori %lt3A_254, %lt3A_256 : i1
      %and3A_258 = arith.andi %ne3A_257, %ne3A_252 : i1
      %add3A_259 = arith.addi %rem3A_250, %select_n3A_249 : i32
      %select_n3A_260 = arith.select %and3A_258, %add3A_259, %rem3A_250 : i32
      %mul3A_261 = arith.constant 128 : i32
      %mul3A_262 = arith.muli %select_n3A_260, %mul3A_261 : i32
      %dma_start3A_263 = arith.constant 0 : i32
      %dma_start3A_264 = tpu.memref_slice %arg4[%mul3A_262, %select_n3A_244, %dma_start3A_263] : memref<16384x32x128xf32, #tpu.memory_space<hbm>> -> memref<128x1x64xf32, #tpu.memory_space<hbm>>
      %dma_start3A_265 = tpu.memref_squeeze %dma_start3A_264 : memref<128x1x64xf32, #tpu.memory_space<hbm>> -> memref<128x64xf32, #tpu.memory_space<hbm>>
      %dma_start3A_266 = arith.constant 0 : i32
      %dma_start3A_267 = tpu.memref_slice %arg4[%mul3A_262, %select_n3A_244, %dma_start3A_266] : memref<16384x32x128xf32, #tpu.memory_space<hbm>> -> memref<128x1x64xf32, #tpu.memory_space<hbm>>
      %dma_start3A_268 = tpu.memref_squeeze %dma_start3A_267 : memref<128x1x64xf32, #tpu.memory_space<hbm>> -> memref<128x64xf32, #tpu.memory_space<hbm>>
      tpu.enqueue_dma source(%arg6 : memref<128x64xf32, #tpu.memory_space<vmem>>) target(%dma_start3A_268 : memref<128x64xf32, #tpu.memory_space<hbm>>) target_semaphore(%arg14 : memref<!tpu.dma_semaphore, #tpu.memory_space<semaphore_mem>>)
      %add3A_269 = arith.constant 4 : i32
      %add3A_270 = arith.addi %add3A_213, %add3A_269 : i32
      %sub3A_271 = arith.constant 1 : i32
      %sub3A_272 = arith.subi %add3A_270, %sub3A_271 : i32
      %lt3A_273 = arith.constant 104 : i32
      %lt3A_274 = arith.cmpi slt, %sub3A_272, %lt3A_273 : i32
      %convert_element_type3A = arith.extui %lt3A_274 : i1 to i32
      %cond3A = arith.constant 0 : i32
      %cond3A_275 = arith.cmpi ne, %convert_element_type3A, %cond3A : i32
      scf.if %cond3A_275 {
        %ge3A = arith.constant 4 : i32
        %ge3A_474 = arith.cmpi sge, %sub3A_272, %ge3A : i32
        %convert_element_type3A_475 = arith.extui %ge3A_474 : i1 to i32
        %cond3A_476 = arith.constant 0 : i32
        %cond3A_477 = arith.cmpi ne, %convert_element_type3A_475, %cond3A_476 : i32
        scf.if %cond3A_477 {
          %jit3A_484 = arith.constant 128 : i32
          %div3A_485 = arith.divsi %mul3A_2, %jit3A_484 : i32
          %sign3A_486 = arith.constant 0 : i32
          %sign3A_487 = arith.cmpi sgt, %mul3A_2, %sign3A_486 : i32
          %sign3A_488 = arith.extui %sign3A_487 : i1 to i32
          %sign3A_489 = arith.constant 0 : i32
          %sign3A_490 = arith.cmpi slt, %mul3A_2, %sign3A_489 : i32
          %sign3A_491 = arith.extui %sign3A_490 : i1 to i32
          %sign3A_492 = arith.subi %sign3A_488, %sign3A_491 : i32
          %sign3A_493 = arith.constant 0 : i32
          %sign3A_494 = arith.cmpi sgt, %jit3A_484, %sign3A_493 : i32
          %sign3A_495 = arith.extui %sign3A_494 : i1 to i32
          %sign3A_496 = arith.constant 0 : i32
          %sign3A_497 = arith.cmpi slt, %jit3A_484, %sign3A_496 : i32
          %sign3A_498 = arith.extui %sign3A_497 : i1 to i32
          %sign3A_499 = arith.subi %sign3A_495, %sign3A_498 : i32
          %ne3A_500 = arith.cmpi ne, %sign3A_492, %sign3A_499 : i32
          %rem3A_501 = arith.remsi %mul3A_2, %jit3A_484 : i32
          %ne3A_502 = arith.constant 0 : i32
          %ne3A_503 = arith.cmpi ne, %rem3A_501, %ne3A_502 : i32
          %and3A_504 = arith.andi %ne3A_500, %ne3A_503 : i1
          %sub3A_505 = arith.constant 1 : i32
          %sub3A_506 = arith.subi %div3A_485, %sub3A_505 : i32
          %select_n3A_507 = arith.select %and3A_504, %sub3A_506, %div3A_485 : i32
          %jit3A_508 = arith.constant 128 : i32
          %eq3A_509 = arith.constant 0 : i32
          %eq3A_510 = arith.cmpi eq, %jit3A_508, %eq3A_509 : i32
          %jit3A_511 = arith.constant 1 : i32
          %select_n3A_512 = arith.select %eq3A_510, %jit3A_511, %jit3A_508 : i32
          %rem3A_513 = arith.remsi %mul3A_2, %select_n3A_512 : i32
          %ne3A_514 = arith.constant 0 : i32
          %ne3A_515 = arith.cmpi ne, %rem3A_513, %ne3A_514 : i32
          %lt3A_516 = arith.constant 0 : i32
          %lt3A_517 = arith.cmpi slt, %rem3A_513, %lt3A_516 : i32
          %lt3A_518 = arith.constant 0 : i32
          %lt3A_519 = arith.cmpi slt, %select_n3A_512, %lt3A_518 : i32
          %ne3A_520 = arith.xori %lt3A_517, %lt3A_519 : i1
          %and3A_521 = arith.andi %ne3A_520, %ne3A_515 : i1
          %add3A_522 = arith.addi %rem3A_513, %select_n3A_512 : i32
          %select_n3A_523 = arith.select %and3A_521, %add3A_522, %rem3A_513 : i32
          %mul3A_524 = arith.constant 128 : i32
          %mul3A_525 = arith.muli %select_n3A_523, %mul3A_524 : i32
          %dma_wait3A_526 = arith.constant 0 : i32
          %dma_wait3A_527 = tpu.memref_slice %arg4[%mul3A_525, %select_n3A_507, %dma_wait3A_526] : memref<16384x32x128xf32, #tpu.memory_space<hbm>> -> memref<128x1x64xf32, #tpu.memory_space<hbm>>
          %dma_wait3A_528 = tpu.memref_squeeze %dma_wait3A_527 : memref<128x1x64xf32, #tpu.memory_space<hbm>> -> memref<128x64xf32, #tpu.memory_space<hbm>>
          %dma_wait3A_529 = arith.constant 0 : i32
          %dma_wait3A_530 = tpu.memref_slice %arg4[%mul3A_525, %select_n3A_507, %dma_wait3A_529] : memref<16384x32x128xf32, #tpu.memory_space<hbm>> -> memref<128x1x64xf32, #tpu.memory_space<hbm>>
          %dma_wait3A_531 = tpu.memref_squeeze %dma_wait3A_530 : memref<128x1x64xf32, #tpu.memory_space<hbm>> -> memref<128x64xf32, #tpu.memory_space<hbm>>
          tpu.wait_dma2 semaphore(%arg17 : memref<!tpu.dma_semaphore, #tpu.memory_space<semaphore_mem>>) src(%arg9 : memref<128x64xf32, #tpu.memory_space<vmem>>) dst(%dma_wait3A_531 : memref<128x64xf32, #tpu.memory_space<hbm>>)
        } else {
        }
        %dma_start3A_478 = arith.constant 0 : i32
        %dma_start3A_479 = tpu.memref_slice %arg5[%sub3A_272, %dma_start3A_478] : memref<104x128xi32, #tpu.memory_space<vmem>> -> memref<1x128xi32, #tpu.memory_space<vmem>>
        %dma_start3A_480 = tpu.memref_squeeze %dma_start3A_479 : memref<1x128xi32, #tpu.memory_space<vmem>> -> memref<128xi32, #tpu.memory_space<vmem>>
        %dma_start3A_481 = arith.constant 0 : i32
        %dma_start3A_482 = arith.constant 0 : i32
        %dma_start3A_483 = tpu.memref_slice %arg3[%dma_start3A_481, %dma_start3A_482] : memref<2000000x64xf32, #tpu.memory_space<hbm>> -> memref<2000000x64xf32, #tpu.memory_space<hbm>>
        tpu.enqueue_indirect_dma source(%dma_start3A_483 : memref<2000000x64xf32, #tpu.memory_space<hbm>>) target(%arg9 : memref<128x64xf32, #tpu.memory_space<vmem>>) offsets(%dma_start3A_480 : memref<128xi32, #tpu.memory_space<vmem>>) semaphore(%arg13 : memref<!tpu.dma_semaphore, #tpu.memory_space<semaphore_mem>>)
      } else {
      }
      %add3A_276 = arith.constant 1 : i32
      %add3A_277 = arith.addi %mul3A_211, %add3A_276 : i32
      %dma_wait3A_278 = arith.constant 0 : i32
      %dma_wait3A_279 = tpu.memref_slice %arg5[%add3A_277, %dma_wait3A_278] : memref<104x128xi32, #tpu.memory_space<vmem>> -> memref<1x128xi32, #tpu.memory_space<vmem>>
      %dma_wait3A_280 = tpu.memref_squeeze %dma_wait3A_279 : memref<1x128xi32, #tpu.memory_space<vmem>> -> memref<128xi32, #tpu.memory_space<vmem>>
      %dma_wait3A_281 = arith.constant 0 : i32
      %dma_wait3A_282 = arith.constant 0 : i32
      %dma_wait3A_283 = tpu.memref_slice %arg3[%dma_wait3A_281, %dma_wait3A_282] : memref<2000000x64xf32, #tpu.memory_space<hbm>> -> memref<2000000x64xf32, #tpu.memory_space<hbm>>
      tpu.wait_indirect_dma semaphore(%arg11 : memref<!tpu.dma_semaphore, #tpu.memory_space<semaphore_mem>>) src(%dma_wait3A_283 : memref<2000000x64xf32, #tpu.memory_space<hbm>>) dst(%arg7 : memref<128x64xf32, #tpu.memory_space<vmem>>)
      %add3A_284 = arith.addi %mul3A_2, %add3A_277 : i32
      %jit3A_285 = arith.constant 128 : i32
      %div3A_286 = arith.divsi %add3A_284, %jit3A_285 : i32
      %sign3A_287 = arith.constant 0 : i32
      %sign3A_288 = arith.cmpi sgt, %add3A_284, %sign3A_287 : i32
      %sign3A_289 = arith.extui %sign3A_288 : i1 to i32
      %sign3A_290 = arith.constant 0 : i32
      %sign3A_291 = arith.cmpi slt, %add3A_284, %sign3A_290 : i32
      %sign3A_292 = arith.extui %sign3A_291 : i1 to i32
      %sign3A_293 = arith.subi %sign3A_289, %sign3A_292 : i32
      %sign3A_294 = arith.constant 0 : i32
      %sign3A_295 = arith.cmpi sgt, %jit3A_285, %sign3A_294 : i32
      %sign3A_296 = arith.extui %sign3A_295 : i1 to i32
      %sign3A_297 = arith.constant 0 : i32
      %sign3A_298 = arith.cmpi slt, %jit3A_285, %sign3A_297 : i32
      %sign3A_299 = arith.extui %sign3A_298 : i1 to i32
      %sign3A_300 = arith.subi %sign3A_296, %sign3A_299 : i32
      %ne3A_301 = arith.cmpi ne, %sign3A_293, %sign3A_300 : i32
      %rem3A_302 = arith.remsi %add3A_284, %jit3A_285 : i32
      %ne3A_303 = arith.constant 0 : i32
      %ne3A_304 = arith.cmpi ne, %rem3A_302, %ne3A_303 : i32
      %and3A_305 = arith.andi %ne3A_301, %ne3A_304 : i1
      %sub3A_306 = arith.constant 1 : i32
      %sub3A_307 = arith.subi %div3A_286, %sub3A_306 : i32
      %select_n3A_308 = arith.select %and3A_305, %sub3A_307, %div3A_286 : i32
      %jit3A_309 = arith.constant 128 : i32
      %eq3A_310 = arith.constant 0 : i32
      %eq3A_311 = arith.cmpi eq, %jit3A_309, %eq3A_310 : i32
      %jit3A_312 = arith.constant 1 : i32
      %select_n3A_313 = arith.select %eq3A_311, %jit3A_312, %jit3A_309 : i32
      %rem3A_314 = arith.remsi %add3A_284, %select_n3A_313 : i32
      %ne3A_315 = arith.constant 0 : i32
      %ne3A_316 = arith.cmpi ne, %rem3A_314, %ne3A_315 : i32
      %lt3A_317 = arith.constant 0 : i32
      %lt3A_318 = arith.cmpi slt, %rem3A_314, %lt3A_317 : i32
      %lt3A_319 = arith.constant 0 : i32
      %lt3A_320 = arith.cmpi slt, %select_n3A_313, %lt3A_319 : i32
      %ne3A_321 = arith.xori %lt3A_318, %lt3A_320 : i1
      %and3A_322 = arith.andi %ne3A_321, %ne3A_316 : i1
      %add3A_323 = arith.addi %rem3A_314, %select_n3A_313 : i32
      %select_n3A_324 = arith.select %and3A_322, %add3A_323, %rem3A_314 : i32
      %mul3A_325 = arith.constant 128 : i32
      %mul3A_326 = arith.muli %select_n3A_324, %mul3A_325 : i32
      %dma_start3A_327 = arith.constant 0 : i32
      %dma_start3A_328 = tpu.memref_slice %arg4[%mul3A_326, %select_n3A_308, %dma_start3A_327] : memref<16384x32x128xf32, #tpu.memory_space<hbm>> -> memref<128x1x64xf32, #tpu.memory_space<hbm>>
      %dma_start3A_329 = tpu.memref_squeeze %dma_start3A_328 : memref<128x1x64xf32, #tpu.memory_space<hbm>> -> memref<128x64xf32, #tpu.memory_space<hbm>>
      %dma_start3A_330 = arith.constant 0 : i32
      %dma_start3A_331 = tpu.memref_slice %arg4[%mul3A_326, %select_n3A_308, %dma_start3A_330] : memref<16384x32x128xf32, #tpu.memory_space<hbm>> -> memref<128x1x64xf32, #tpu.memory_space<hbm>>
      %dma_start3A_332 = tpu.memref_squeeze %dma_start3A_331 : memref<128x1x64xf32, #tpu.memory_space<hbm>> -> memref<128x64xf32, #tpu.memory_space<hbm>>
      tpu.enqueue_dma source(%arg7 : memref<128x64xf32, #tpu.memory_space<vmem>>) target(%dma_start3A_332 : memref<128x64xf32, #tpu.memory_space<hbm>>) target_semaphore(%arg15 : memref<!tpu.dma_semaphore, #tpu.memory_space<semaphore_mem>>)
      %add3A_333 = arith.constant 4 : i32
      %add3A_334 = arith.addi %add3A_277, %add3A_333 : i32
      %sub3A_335 = arith.constant 1 : i32
      %sub3A_336 = arith.subi %add3A_334, %sub3A_335 : i32
      %lt3A_337 = arith.constant 104 : i32
      %lt3A_338 = arith.cmpi slt, %sub3A_336, %lt3A_337 : i32
      %convert_element_type3A_339 = arith.extui %lt3A_338 : i1 to i32
      %cond3A_340 = arith.constant 0 : i32
      %cond3A_341 = arith.cmpi ne, %convert_element_type3A_339, %cond3A_340 : i32
      scf.if %cond3A_341 {
        %ge3A = arith.constant 4 : i32
        %ge3A_474 = arith.cmpi sge, %sub3A_336, %ge3A : i32
        %convert_element_type3A_475 = arith.extui %ge3A_474 : i1 to i32
        %cond3A_476 = arith.constant 0 : i32
        %cond3A_477 = arith.cmpi ne, %convert_element_type3A_475, %cond3A_476 : i32
        scf.if %cond3A_477 {
          %jit3A_484 = arith.constant 128 : i32
          %div3A_485 = arith.divsi %mul3A_2, %jit3A_484 : i32
          %sign3A_486 = arith.constant 0 : i32
          %sign3A_487 = arith.cmpi sgt, %mul3A_2, %sign3A_486 : i32
          %sign3A_488 = arith.extui %sign3A_487 : i1 to i32
          %sign3A_489 = arith.constant 0 : i32
          %sign3A_490 = arith.cmpi slt, %mul3A_2, %sign3A_489 : i32
          %sign3A_491 = arith.extui %sign3A_490 : i1 to i32
          %sign3A_492 = arith.subi %sign3A_488, %sign3A_491 : i32
          %sign3A_493 = arith.constant 0 : i32
          %sign3A_494 = arith.cmpi sgt, %jit3A_484, %sign3A_493 : i32
          %sign3A_495 = arith.extui %sign3A_494 : i1 to i32
          %sign3A_496 = arith.constant 0 : i32
          %sign3A_497 = arith.cmpi slt, %jit3A_484, %sign3A_496 : i32
          %sign3A_498 = arith.extui %sign3A_497 : i1 to i32
          %sign3A_499 = arith.subi %sign3A_495, %sign3A_498 : i32
          %ne3A_500 = arith.cmpi ne, %sign3A_492, %sign3A_499 : i32
          %rem3A_501 = arith.remsi %mul3A_2, %jit3A_484 : i32
          %ne3A_502 = arith.constant 0 : i32
          %ne3A_503 = arith.cmpi ne, %rem3A_501, %ne3A_502 : i32
          %and3A_504 = arith.andi %ne3A_500, %ne3A_503 : i1
          %sub3A_505 = arith.constant 1 : i32
          %sub3A_506 = arith.subi %div3A_485, %sub3A_505 : i32
          %select_n3A_507 = arith.select %and3A_504, %sub3A_506, %div3A_485 : i32
          %jit3A_508 = arith.constant 128 : i32
          %eq3A_509 = arith.constant 0 : i32
          %eq3A_510 = arith.cmpi eq, %jit3A_508, %eq3A_509 : i32
          %jit3A_511 = arith.constant 1 : i32
          %select_n3A_512 = arith.select %eq3A_510, %jit3A_511, %jit3A_508 : i32
          %rem3A_513 = arith.remsi %mul3A_2, %select_n3A_512 : i32
          %ne3A_514 = arith.constant 0 : i32
          %ne3A_515 = arith.cmpi ne, %rem3A_513, %ne3A_514 : i32
          %lt3A_516 = arith.constant 0 : i32
          %lt3A_517 = arith.cmpi slt, %rem3A_513, %lt3A_516 : i32
          %lt3A_518 = arith.constant 0 : i32
          %lt3A_519 = arith.cmpi slt, %select_n3A_512, %lt3A_518 : i32
          %ne3A_520 = arith.xori %lt3A_517, %lt3A_519 : i1
          %and3A_521 = arith.andi %ne3A_520, %ne3A_515 : i1
          %add3A_522 = arith.addi %rem3A_513, %select_n3A_512 : i32
          %select_n3A_523 = arith.select %and3A_521, %add3A_522, %rem3A_513 : i32
          %mul3A_524 = arith.constant 128 : i32
          %mul3A_525 = arith.muli %select_n3A_523, %mul3A_524 : i32
          %dma_wait3A_526 = arith.constant 0 : i32
          %dma_wait3A_527 = tpu.memref_slice %arg4[%mul3A_525, %select_n3A_507, %dma_wait3A_526] : memref<16384x32x128xf32, #tpu.memory_space<hbm>> -> memref<128x1x64xf32, #tpu.memory_space<hbm>>
          %dma_wait3A_528 = tpu.memref_squeeze %dma_wait3A_527 : memref<128x1x64xf32, #tpu.memory_space<hbm>> -> memref<128x64xf32, #tpu.memory_space<hbm>>
          %dma_wait3A_529 = arith.constant 0 : i32
          %dma_wait3A_530 = tpu.memref_slice %arg4[%mul3A_525, %select_n3A_507, %dma_wait3A_529] : memref<16384x32x128xf32, #tpu.memory_space<hbm>> -> memref<128x1x64xf32, #tpu.memory_space<hbm>>
          %dma_wait3A_531 = tpu.memref_squeeze %dma_wait3A_530 : memref<128x1x64xf32, #tpu.memory_space<hbm>> -> memref<128x64xf32, #tpu.memory_space<hbm>>
          tpu.wait_dma2 semaphore(%arg14 : memref<!tpu.dma_semaphore, #tpu.memory_space<semaphore_mem>>) src(%arg6 : memref<128x64xf32, #tpu.memory_space<vmem>>) dst(%dma_wait3A_531 : memref<128x64xf32, #tpu.memory_space<hbm>>)
        } else {
        }
        %dma_start3A_478 = arith.constant 0 : i32
        %dma_start3A_479 = tpu.memref_slice %arg5[%sub3A_336, %dma_start3A_478] : memref<104x128xi32, #tpu.memory_space<vmem>> -> memref<1x128xi32, #tpu.memory_space<vmem>>
        %dma_start3A_480 = tpu.memref_squeeze %dma_start3A_479 : memref<1x128xi32, #tpu.memory_space<vmem>> -> memref<128xi32, #tpu.memory_space<vmem>>
        %dma_start3A_481 = arith.constant 0 : i32
        %dma_start3A_482 = arith.constant 0 : i32
        %dma_start3A_483 = tpu.memref_slice %arg3[%dma_start3A_481, %dma_start3A_482] : memref<2000000x64xf32, #tpu.memory_space<hbm>> -> memref<2000000x64xf32, #tpu.memory_space<hbm>>
        tpu.enqueue_indirect_dma source(%dma_start3A_483 : memref<2000000x64xf32, #tpu.memory_space<hbm>>) target(%arg6 : memref<128x64xf32, #tpu.memory_space<vmem>>) offsets(%dma_start3A_480 : memref<128xi32, #tpu.memory_space<vmem>>) semaphore(%arg10 : memref<!tpu.dma_semaphore, #tpu.memory_space<semaphore_mem>>)
      } else {
      }
      %add3A_342 = arith.constant 2 : i32
      %add3A_343 = arith.addi %mul3A_211, %add3A_342 : i32
      %dma_wait3A_344 = arith.constant 0 : i32
      %dma_wait3A_345 = tpu.memref_slice %arg5[%add3A_343, %dma_wait3A_344] : memref<104x128xi32, #tpu.memory_space<vmem>> -> memref<1x128xi32, #tpu.memory_space<vmem>>
      %dma_wait3A_346 = tpu.memref_squeeze %dma_wait3A_345 : memref<1x128xi32, #tpu.memory_space<vmem>> -> memref<128xi32, #tpu.memory_space<vmem>>
      %dma_wait3A_347 = arith.constant 0 : i32
      %dma_wait3A_348 = arith.constant 0 : i32
      %dma_wait3A_349 = tpu.memref_slice %arg3[%dma_wait3A_347, %dma_wait3A_348] : memref<2000000x64xf32, #tpu.memory_space<hbm>> -> memref<2000000x64xf32, #tpu.memory_space<hbm>>
      tpu.wait_indirect_dma semaphore(%arg12 : memref<!tpu.dma_semaphore, #tpu.memory_space<semaphore_mem>>) src(%dma_wait3A_349 : memref<2000000x64xf32, #tpu.memory_space<hbm>>) dst(%arg8 : memref<128x64xf32, #tpu.memory_space<vmem>>)
      %add3A_350 = arith.addi %mul3A_2, %add3A_343 : i32
      %jit3A_351 = arith.constant 128 : i32
      %div3A_352 = arith.divsi %add3A_350, %jit3A_351 : i32
      %sign3A_353 = arith.constant 0 : i32
      %sign3A_354 = arith.cmpi sgt, %add3A_350, %sign3A_353 : i32
      %sign3A_355 = arith.extui %sign3A_354 : i1 to i32
      %sign3A_356 = arith.constant 0 : i32
      %sign3A_357 = arith.cmpi slt, %add3A_350, %sign3A_356 : i32
      %sign3A_358 = arith.extui %sign3A_357 : i1 to i32
      %sign3A_359 = arith.subi %sign3A_355, %sign3A_358 : i32
      %sign3A_360 = arith.constant 0 : i32
      %sign3A_361 = arith.cmpi sgt, %jit3A_351, %sign3A_360 : i32
      %sign3A_362 = arith.extui %sign3A_361 : i1 to i32
      %sign3A_363 = arith.constant 0 : i32
      %sign3A_364 = arith.cmpi slt, %jit3A_351, %sign3A_363 : i32
      %sign3A_365 = arith.extui %sign3A_364 : i1 to i32
      %sign3A_366 = arith.subi %sign3A_362, %sign3A_365 : i32
      %ne3A_367 = arith.cmpi ne, %sign3A_359, %sign3A_366 : i32
      %rem3A_368 = arith.remsi %add3A_350, %jit3A_351 : i32
      %ne3A_369 = arith.constant 0 : i32
      %ne3A_370 = arith.cmpi ne, %rem3A_368, %ne3A_369 : i32
      %and3A_371 = arith.andi %ne3A_367, %ne3A_370 : i1
      %sub3A_372 = arith.constant 1 : i32
      %sub3A_373 = arith.subi %div3A_352, %sub3A_372 : i32
      %select_n3A_374 = arith.select %and3A_371, %sub3A_373, %div3A_352 : i32
      %jit3A_375 = arith.constant 128 : i32
      %eq3A_376 = arith.constant 0 : i32
      %eq3A_377 = arith.cmpi eq, %jit3A_375, %eq3A_376 : i32
      %jit3A_378 = arith.constant 1 : i32
      %select_n3A_379 = arith.select %eq3A_377, %jit3A_378, %jit3A_375 : i32
      %rem3A_380 = arith.remsi %add3A_350, %select_n3A_379 : i32
      %ne3A_381 = arith.constant 0 : i32
      %ne3A_382 = arith.cmpi ne, %rem3A_380, %ne3A_381 : i32
      %lt3A_383 = arith.constant 0 : i32
      %lt3A_384 = arith.cmpi slt, %rem3A_380, %lt3A_383 : i32
      %lt3A_385 = arith.constant 0 : i32
      %lt3A_386 = arith.cmpi slt, %select_n3A_379, %lt3A_385 : i32
      %ne3A_387 = arith.xori %lt3A_384, %lt3A_386 : i1
      %and3A_388 = arith.andi %ne3A_387, %ne3A_382 : i1
      %add3A_389 = arith.addi %rem3A_380, %select_n3A_379 : i32
      %select_n3A_390 = arith.select %and3A_388, %add3A_389, %rem3A_380 : i32
      %mul3A_391 = arith.constant 128 : i32
      %mul3A_392 = arith.muli %select_n3A_390, %mul3A_391 : i32
      %dma_start3A_393 = arith.constant 0 : i32
      %dma_start3A_394 = tpu.memref_slice %arg4[%mul3A_392, %select_n3A_374, %dma_start3A_393] : memref<16384x32x128xf32, #tpu.memory_space<hbm>> -> memref<128x1x64xf32, #tpu.memory_space<hbm>>
      %dma_start3A_395 = tpu.memref_squeeze %dma_start3A_394 : memref<128x1x64xf32, #tpu.memory_space<hbm>> -> memref<128x64xf32, #tpu.memory_space<hbm>>
      %dma_start3A_396 = arith.constant 0 : i32
      %dma_start3A_397 = tpu.memref_slice %arg4[%mul3A_392, %select_n3A_374, %dma_start3A_396] : memref<16384x32x128xf32, #tpu.memory_space<hbm>> -> memref<128x1x64xf32, #tpu.memory_space<hbm>>
      %dma_start3A_398 = tpu.memref_squeeze %dma_start3A_397 : memref<128x1x64xf32, #tpu.memory_space<hbm>> -> memref<128x64xf32, #tpu.memory_space<hbm>>
      tpu.enqueue_dma source(%arg8 : memref<128x64xf32, #tpu.memory_space<vmem>>) target(%dma_start3A_398 : memref<128x64xf32, #tpu.memory_space<hbm>>) target_semaphore(%arg16 : memref<!tpu.dma_semaphore, #tpu.memory_space<semaphore_mem>>)
      %add3A_399 = arith.constant 4 : i32
      %add3A_400 = arith.addi %add3A_343, %add3A_399 : i32
      %sub3A_401 = arith.constant 1 : i32
      %sub3A_402 = arith.subi %add3A_400, %sub3A_401 : i32
      %lt3A_403 = arith.constant 104 : i32
      %lt3A_404 = arith.cmpi slt, %sub3A_402, %lt3A_403 : i32
      %convert_element_type3A_405 = arith.extui %lt3A_404 : i1 to i32
      %cond3A_406 = arith.constant 0 : i32
      %cond3A_407 = arith.cmpi ne, %convert_element_type3A_405, %cond3A_406 : i32
      scf.if %cond3A_407 {
        %ge3A = arith.constant 4 : i32
        %ge3A_474 = arith.cmpi sge, %sub3A_402, %ge3A : i32
        %convert_element_type3A_475 = arith.extui %ge3A_474 : i1 to i32
        %cond3A_476 = arith.constant 0 : i32
        %cond3A_477 = arith.cmpi ne, %convert_element_type3A_475, %cond3A_476 : i32
        scf.if %cond3A_477 {
          %jit3A_484 = arith.constant 128 : i32
          %div3A_485 = arith.divsi %mul3A_2, %jit3A_484 : i32
          %sign3A_486 = arith.constant 0 : i32
          %sign3A_487 = arith.cmpi sgt, %mul3A_2, %sign3A_486 : i32
          %sign3A_488 = arith.extui %sign3A_487 : i1 to i32
          %sign3A_489 = arith.constant 0 : i32
          %sign3A_490 = arith.cmpi slt, %mul3A_2, %sign3A_489 : i32
          %sign3A_491 = arith.extui %sign3A_490 : i1 to i32
          %sign3A_492 = arith.subi %sign3A_488, %sign3A_491 : i32
          %sign3A_493 = arith.constant 0 : i32
          %sign3A_494 = arith.cmpi sgt, %jit3A_484, %sign3A_493 : i32
          %sign3A_495 = arith.extui %sign3A_494 : i1 to i32
          %sign3A_496 = arith.constant 0 : i32
          %sign3A_497 = arith.cmpi slt, %jit3A_484, %sign3A_496 : i32
          %sign3A_498 = arith.extui %sign3A_497 : i1 to i32
          %sign3A_499 = arith.subi %sign3A_495, %sign3A_498 : i32
          %ne3A_500 = arith.cmpi ne, %sign3A_492, %sign3A_499 : i32
          %rem3A_501 = arith.remsi %mul3A_2, %jit3A_484 : i32
          %ne3A_502 = arith.constant 0 : i32
          %ne3A_503 = arith.cmpi ne, %rem3A_501, %ne3A_502 : i32
          %and3A_504 = arith.andi %ne3A_500, %ne3A_503 : i1
          %sub3A_505 = arith.constant 1 : i32
          %sub3A_506 = arith.subi %div3A_485, %sub3A_505 : i32
          %select_n3A_507 = arith.select %and3A_504, %sub3A_506, %div3A_485 : i32
          %jit3A_508 = arith.constant 128 : i32
          %eq3A_509 = arith.constant 0 : i32
          %eq3A_510 = arith.cmpi eq, %jit3A_508, %eq3A_509 : i32
          %jit3A_511 = arith.constant 1 : i32
          %select_n3A_512 = arith.select %eq3A_510, %jit3A_511, %jit3A_508 : i32
          %rem3A_513 = arith.remsi %mul3A_2, %select_n3A_512 : i32
          %ne3A_514 = arith.constant 0 : i32
          %ne3A_515 = arith.cmpi ne, %rem3A_513, %ne3A_514 : i32
          %lt3A_516 = arith.constant 0 : i32
          %lt3A_517 = arith.cmpi slt, %rem3A_513, %lt3A_516 : i32
          %lt3A_518 = arith.constant 0 : i32
          %lt3A_519 = arith.cmpi slt, %select_n3A_512, %lt3A_518 : i32
          %ne3A_520 = arith.xori %lt3A_517, %lt3A_519 : i1
          %and3A_521 = arith.andi %ne3A_520, %ne3A_515 : i1
          %add3A_522 = arith.addi %rem3A_513, %select_n3A_512 : i32
          %select_n3A_523 = arith.select %and3A_521, %add3A_522, %rem3A_513 : i32
          %mul3A_524 = arith.constant 128 : i32
          %mul3A_525 = arith.muli %select_n3A_523, %mul3A_524 : i32
          %dma_wait3A_526 = arith.constant 0 : i32
          %dma_wait3A_527 = tpu.memref_slice %arg4[%mul3A_525, %select_n3A_507, %dma_wait3A_526] : memref<16384x32x128xf32, #tpu.memory_space<hbm>> -> memref<128x1x64xf32, #tpu.memory_space<hbm>>
          %dma_wait3A_528 = tpu.memref_squeeze %dma_wait3A_527 : memref<128x1x64xf32, #tpu.memory_space<hbm>> -> memref<128x64xf32, #tpu.memory_space<hbm>>
          %dma_wait3A_529 = arith.constant 0 : i32
          %dma_wait3A_530 = tpu.memref_slice %arg4[%mul3A_525, %select_n3A_507, %dma_wait3A_529] : memref<16384x32x128xf32, #tpu.memory_space<hbm>> -> memref<128x1x64xf32, #tpu.memory_space<hbm>>
          %dma_wait3A_531 = tpu.memref_squeeze %dma_wait3A_530 : memref<128x1x64xf32, #tpu.memory_space<hbm>> -> memref<128x64xf32, #tpu.memory_space<hbm>>
          tpu.wait_dma2 semaphore(%arg15 : memref<!tpu.dma_semaphore, #tpu.memory_space<semaphore_mem>>) src(%arg7 : memref<128x64xf32, #tpu.memory_space<vmem>>) dst(%dma_wait3A_531 : memref<128x64xf32, #tpu.memory_space<hbm>>)
        } else {
        }
        %dma_start3A_478 = arith.constant 0 : i32
        %dma_start3A_479 = tpu.memref_slice %arg5[%sub3A_402, %dma_start3A_478] : memref<104x128xi32, #tpu.memory_space<vmem>> -> memref<1x128xi32, #tpu.memory_space<vmem>>
        %dma_start3A_480 = tpu.memref_squeeze %dma_start3A_479 : memref<1x128xi32, #tpu.memory_space<vmem>> -> memref<128xi32, #tpu.memory_space<vmem>>
        %dma_start3A_481 = arith.constant 0 : i32
        %dma_start3A_482 = arith.constant 0 : i32
        %dma_start3A_483 = tpu.memref_slice %arg3[%dma_start3A_481, %dma_start3A_482] : memref<2000000x64xf32, #tpu.memory_space<hbm>> -> memref<2000000x64xf32, #tpu.memory_space<hbm>>
        tpu.enqueue_indirect_dma source(%dma_start3A_483 : memref<2000000x64xf32, #tpu.memory_space<hbm>>) target(%arg7 : memref<128x64xf32, #tpu.memory_space<vmem>>) offsets(%dma_start3A_480 : memref<128xi32, #tpu.memory_space<vmem>>) semaphore(%arg11 : memref<!tpu.dma_semaphore, #tpu.memory_space<semaphore_mem>>)
      } else {
      }
      %add3A_408 = arith.constant 3 : i32
      %add3A_409 = arith.addi %mul3A_211, %add3A_408 : i32
      %dma_wait3A_410 = arith.constant 0 : i32
      %dma_wait3A_411 = tpu.memref_slice %arg5[%add3A_409, %dma_wait3A_410] : memref<104x128xi32, #tpu.memory_space<vmem>> -> memref<1x128xi32, #tpu.memory_space<vmem>>
      %dma_wait3A_412 = tpu.memref_squeeze %dma_wait3A_411 : memref<1x128xi32, #tpu.memory_space<vmem>> -> memref<128xi32, #tpu.memory_space<vmem>>
      %dma_wait3A_413 = arith.constant 0 : i32
      %dma_wait3A_414 = arith.constant 0 : i32
      %dma_wait3A_415 = tpu.memref_slice %arg3[%dma_wait3A_413, %dma_wait3A_414] : memref<2000000x64xf32, #tpu.memory_space<hbm>> -> memref<2000000x64xf32, #tpu.memory_space<hbm>>
      tpu.wait_indirect_dma semaphore(%arg13 : memref<!tpu.dma_semaphore, #tpu.memory_space<semaphore_mem>>) src(%dma_wait3A_415 : memref<2000000x64xf32, #tpu.memory_space<hbm>>) dst(%arg9 : memref<128x64xf32, #tpu.memory_space<vmem>>)
      %add3A_416 = arith.addi %mul3A_2, %add3A_409 : i32
      %jit3A_417 = arith.constant 128 : i32
      %div3A_418 = arith.divsi %add3A_416, %jit3A_417 : i32
      %sign3A_419 = arith.constant 0 : i32
      %sign3A_420 = arith.cmpi sgt, %add3A_416, %sign3A_419 : i32
      %sign3A_421 = arith.extui %sign3A_420 : i1 to i32
      %sign3A_422 = arith.constant 0 : i32
      %sign3A_423 = arith.cmpi slt, %add3A_416, %sign3A_422 : i32
      %sign3A_424 = arith.extui %sign3A_423 : i1 to i32
      %sign3A_425 = arith.subi %sign3A_421, %sign3A_424 : i32
      %sign3A_426 = arith.constant 0 : i32
      %sign3A_427 = arith.cmpi sgt, %jit3A_417, %sign3A_426 : i32
      %sign3A_428 = arith.extui %sign3A_427 : i1 to i32
      %sign3A_429 = arith.constant 0 : i32
      %sign3A_430 = arith.cmpi slt, %jit3A_417, %sign3A_429 : i32
      %sign3A_431 = arith.extui %sign3A_430 : i1 to i32
      %sign3A_432 = arith.subi %sign3A_428, %sign3A_431 : i32
      %ne3A_433 = arith.cmpi ne, %sign3A_425, %sign3A_432 : i32
      %rem3A_434 = arith.remsi %add3A_416, %jit3A_417 : i32
      %ne3A_435 = arith.constant 0 : i32
      %ne3A_436 = arith.cmpi ne, %rem3A_434, %ne3A_435 : i32
      %and3A_437 = arith.andi %ne3A_433, %ne3A_436 : i1
      %sub3A_438 = arith.constant 1 : i32
      %sub3A_439 = arith.subi %div3A_418, %sub3A_438 : i32
      %select_n3A_440 = arith.select %and3A_437, %sub3A_439, %div3A_418 : i32
      %jit3A_441 = arith.constant 128 : i32
      %eq3A_442 = arith.constant 0 : i32
      %eq3A_443 = arith.cmpi eq, %jit3A_441, %eq3A_442 : i32
      %jit3A_444 = arith.constant 1 : i32
      %select_n3A_445 = arith.select %eq3A_443, %jit3A_444, %jit3A_441 : i32
      %rem3A_446 = arith.remsi %add3A_416, %select_n3A_445 : i32
      %ne3A_447 = arith.constant 0 : i32
      %ne3A_448 = arith.cmpi ne, %rem3A_446, %ne3A_447 : i32
      %lt3A_449 = arith.constant 0 : i32
      %lt3A_450 = arith.cmpi slt, %rem3A_446, %lt3A_449 : i32
      %lt3A_451 = arith.constant 0 : i32
      %lt3A_452 = arith.cmpi slt, %select_n3A_445, %lt3A_451 : i32
      %ne3A_453 = arith.xori %lt3A_450, %lt3A_452 : i1
      %and3A_454 = arith.andi %ne3A_453, %ne3A_448 : i1
      %add3A_455 = arith.addi %rem3A_446, %select_n3A_445 : i32
      %select_n3A_456 = arith.select %and3A_454, %add3A_455, %rem3A_446 : i32
      %mul3A_457 = arith.constant 128 : i32
      %mul3A_458 = arith.muli %select_n3A_456, %mul3A_457 : i32
      %dma_start3A_459 = arith.constant 0 : i32
      %dma_start3A_460 = tpu.memref_slice %arg4[%mul3A_458, %select_n3A_440, %dma_start3A_459] : memref<16384x32x128xf32, #tpu.memory_space<hbm>> -> memref<128x1x64xf32, #tpu.memory_space<hbm>>
      %dma_start3A_461 = tpu.memref_squeeze %dma_start3A_460 : memref<128x1x64xf32, #tpu.memory_space<hbm>> -> memref<128x64xf32, #tpu.memory_space<hbm>>
      %dma_start3A_462 = arith.constant 0 : i32
      %dma_start3A_463 = tpu.memref_slice %arg4[%mul3A_458, %select_n3A_440, %dma_start3A_462] : memref<16384x32x128xf32, #tpu.memory_space<hbm>> -> memref<128x1x64xf32, #tpu.memory_space<hbm>>
      %dma_start3A_464 = tpu.memref_squeeze %dma_start3A_463 : memref<128x1x64xf32, #tpu.memory_space<hbm>> -> memref<128x64xf32, #tpu.memory_space<hbm>>
      tpu.enqueue_dma source(%arg9 : memref<128x64xf32, #tpu.memory_space<vmem>>) target(%dma_start3A_464 : memref<128x64xf32, #tpu.memory_space<hbm>>) target_semaphore(%arg17 : memref<!tpu.dma_semaphore, #tpu.memory_space<semaphore_mem>>)
      %add3A_465 = arith.constant 4 : i32
      %add3A_466 = arith.addi %add3A_409, %add3A_465 : i32
      %sub3A_467 = arith.constant 1 : i32
      %sub3A_468 = arith.subi %add3A_466, %sub3A_467 : i32
      %lt3A_469 = arith.constant 104 : i32
      %lt3A_470 = arith.cmpi slt, %sub3A_468, %lt3A_469 : i32
      %convert_element_type3A_471 = arith.extui %lt3A_470 : i1 to i32
      %cond3A_472 = arith.constant 0 : i32
      %cond3A_473 = arith.cmpi ne, %convert_element_type3A_471, %cond3A_472 : i32
      scf.if %cond3A_473 {
        %ge3A = arith.constant 4 : i32
        %ge3A_474 = arith.cmpi sge, %sub3A_468, %ge3A : i32
        %convert_element_type3A_475 = arith.extui %ge3A_474 : i1 to i32
        %cond3A_476 = arith.constant 0 : i32
        %cond3A_477 = arith.cmpi ne, %convert_element_type3A_475, %cond3A_476 : i32
        scf.if %cond3A_477 {
          %jit3A_484 = arith.constant 128 : i32
          %div3A_485 = arith.divsi %mul3A_2, %jit3A_484 : i32
          %sign3A_486 = arith.constant 0 : i32
          %sign3A_487 = arith.cmpi sgt, %mul3A_2, %sign3A_486 : i32
          %sign3A_488 = arith.extui %sign3A_487 : i1 to i32
          %sign3A_489 = arith.constant 0 : i32
          %sign3A_490 = arith.cmpi slt, %mul3A_2, %sign3A_489 : i32
          %sign3A_491 = arith.extui %sign3A_490 : i1 to i32
          %sign3A_492 = arith.subi %sign3A_488, %sign3A_491 : i32
          %sign3A_493 = arith.constant 0 : i32
          %sign3A_494 = arith.cmpi sgt, %jit3A_484, %sign3A_493 : i32
          %sign3A_495 = arith.extui %sign3A_494 : i1 to i32
          %sign3A_496 = arith.constant 0 : i32
          %sign3A_497 = arith.cmpi slt, %jit3A_484, %sign3A_496 : i32
          %sign3A_498 = arith.extui %sign3A_497 : i1 to i32
          %sign3A_499 = arith.subi %sign3A_495, %sign3A_498 : i32
          %ne3A_500 = arith.cmpi ne, %sign3A_492, %sign3A_499 : i32
          %rem3A_501 = arith.remsi %mul3A_2, %jit3A_484 : i32
          %ne3A_502 = arith.constant 0 : i32
          %ne3A_503 = arith.cmpi ne, %rem3A_501, %ne3A_502 : i32
          %and3A_504 = arith.andi %ne3A_500, %ne3A_503 : i1
          %sub3A_505 = arith.constant 1 : i32
          %sub3A_506 = arith.subi %div3A_485, %sub3A_505 : i32
          %select_n3A_507 = arith.select %and3A_504, %sub3A_506, %div3A_485 : i32
          %jit3A_508 = arith.constant 128 : i32
          %eq3A_509 = arith.constant 0 : i32
          %eq3A_510 = arith.cmpi eq, %jit3A_508, %eq3A_509 : i32
          %jit3A_511 = arith.constant 1 : i32
          %select_n3A_512 = arith.select %eq3A_510, %jit3A_511, %jit3A_508 : i32
          %rem3A_513 = arith.remsi %mul3A_2, %select_n3A_512 : i32
          %ne3A_514 = arith.constant 0 : i32
          %ne3A_515 = arith.cmpi ne, %rem3A_513, %ne3A_514 : i32
          %lt3A_516 = arith.constant 0 : i32
          %lt3A_517 = arith.cmpi slt, %rem3A_513, %lt3A_516 : i32
          %lt3A_518 = arith.constant 0 : i32
          %lt3A_519 = arith.cmpi slt, %select_n3A_512, %lt3A_518 : i32
          %ne3A_520 = arith.xori %lt3A_517, %lt3A_519 : i1
          %and3A_521 = arith.andi %ne3A_520, %ne3A_515 : i1
          %add3A_522 = arith.addi %rem3A_513, %select_n3A_512 : i32
          %select_n3A_523 = arith.select %and3A_521, %add3A_522, %rem3A_513 : i32
          %mul3A_524 = arith.constant 128 : i32
          %mul3A_525 = arith.muli %select_n3A_523, %mul3A_524 : i32
          %dma_wait3A_526 = arith.constant 0 : i32
          %dma_wait3A_527 = tpu.memref_slice %arg4[%mul3A_525, %select_n3A_507, %dma_wait3A_526] : memref<16384x32x128xf32, #tpu.memory_space<hbm>> -> memref<128x1x64xf32, #tpu.memory_space<hbm>>
          %dma_wait3A_528 = tpu.memref_squeeze %dma_wait3A_527 : memref<128x1x64xf32, #tpu.memory_space<hbm>> -> memref<128x64xf32, #tpu.memory_space<hbm>>
          %dma_wait3A_529 = arith.constant 0 : i32
          %dma_wait3A_530 = tpu.memref_slice %arg4[%mul3A_525, %select_n3A_507, %dma_wait3A_529] : memref<16384x32x128xf32, #tpu.memory_space<hbm>> -> memref<128x1x64xf32, #tpu.memory_space<hbm>>
          %dma_wait3A_531 = tpu.memref_squeeze %dma_wait3A_530 : memref<128x1x64xf32, #tpu.memory_space<hbm>> -> memref<128x64xf32, #tpu.memory_space<hbm>>
          tpu.wait_dma2 semaphore(%arg16 : memref<!tpu.dma_semaphore, #tpu.memory_space<semaphore_mem>>) src(%arg8 : memref<128x64xf32, #tpu.memory_space<vmem>>) dst(%dma_wait3A_531 : memref<128x64xf32, #tpu.memory_space<hbm>>)
        } else {
        }
        %dma_start3A_478 = arith.constant 0 : i32
        %dma_start3A_479 = tpu.memref_slice %arg5[%sub3A_468, %dma_start3A_478] : memref<104x128xi32, #tpu.memory_space<vmem>> -> memref<1x128xi32, #tpu.memory_space<vmem>>
        %dma_start3A_480 = tpu.memref_squeeze %dma_start3A_479 : memref<1x128xi32, #tpu.memory_space<vmem>> -> memref<128xi32, #tpu.memory_space<vmem>>
        %dma_start3A_481 = arith.constant 0 : i32
        %dma_start3A_482 = arith.constant 0 : i32
        %dma_start3A_483 = tpu.memref_slice %arg3[%dma_start3A_481, %dma_start3A_482] : memref<2000000x64xf32, #tpu.memory_space<hbm>> -> memref<2000000x64xf32, #tpu.memory_space<hbm>>
        tpu.enqueue_indirect_dma source(%dma_start3A_483 : memref<2000000x64xf32, #tpu.memory_space<hbm>>) target(%arg8 : memref<128x64xf32, #tpu.memory_space<vmem>>) offsets(%dma_start3A_480 : memref<128xi32, #tpu.memory_space<vmem>>) semaphore(%arg12 : memref<!tpu.dma_semaphore, #tpu.memory_space<semaphore_mem>>)
      } else {
      }
    }
    %scan3A_27 = arith.constant 26 : i32
    %jit3A = arith.constant 128 : i32
    %div3A = arith.divsi %mul3A_2, %jit3A : i32
    %sign3A = arith.constant 0 : i32
    %sign3A_28 = arith.cmpi sgt, %mul3A_2, %sign3A : i32
    %sign3A_29 = arith.extui %sign3A_28 : i1 to i32
    %sign3A_30 = arith.constant 0 : i32
    %sign3A_31 = arith.cmpi slt, %mul3A_2, %sign3A_30 : i32
    %sign3A_32 = arith.extui %sign3A_31 : i1 to i32
    %sign3A_33 = arith.subi %sign3A_29, %sign3A_32 : i32
    %sign3A_34 = arith.constant 0 : i32
    %sign3A_35 = arith.cmpi sgt, %jit3A, %sign3A_34 : i32
    %sign3A_36 = arith.extui %sign3A_35 : i1 to i32
    %sign3A_37 = arith.constant 0 : i32
    %sign3A_38 = arith.cmpi slt, %jit3A, %sign3A_37 : i32
    %sign3A_39 = arith.extui %sign3A_38 : i1 to i32
    %sign3A_40 = arith.subi %sign3A_36, %sign3A_39 : i32
    %ne3A = arith.cmpi ne, %sign3A_33, %sign3A_40 : i32
    %rem3A = arith.remsi %mul3A_2, %jit3A : i32
    %ne3A_41 = arith.constant 0 : i32
    %ne3A_42 = arith.cmpi ne, %rem3A, %ne3A_41 : i32
    %and3A = arith.andi %ne3A, %ne3A_42 : i1
    %sub3A = arith.constant 1 : i32
    %sub3A_43 = arith.subi %div3A, %sub3A : i32
    %select_n3A = arith.select %and3A, %sub3A_43, %div3A : i32
    %jit3A_44 = arith.constant 128 : i32
    %eq3A = arith.constant 0 : i32
    %eq3A_45 = arith.cmpi eq, %jit3A_44, %eq3A : i32
    %jit3A_46 = arith.constant 1 : i32
    %select_n3A_47 = arith.select %eq3A_45, %jit3A_46, %jit3A_44 : i32
    %rem3A_48 = arith.remsi %mul3A_2, %select_n3A_47 : i32
    %ne3A_49 = arith.constant 0 : i32
    %ne3A_50 = arith.cmpi ne, %rem3A_48, %ne3A_49 : i32
    %lt3A = arith.constant 0 : i32
    %lt3A_51 = arith.cmpi slt, %rem3A_48, %lt3A : i32
    %lt3A_52 = arith.constant 0 : i32
    %lt3A_53 = arith.cmpi slt, %select_n3A_47, %lt3A_52 : i32
    %ne3A_54 = arith.xori %lt3A_51, %lt3A_53 : i1
    %and3A_55 = arith.andi %ne3A_54, %ne3A_50 : i1
    %add3A_56 = arith.addi %rem3A_48, %select_n3A_47 : i32
    %select_n3A_57 = arith.select %and3A_55, %add3A_56, %rem3A_48 : i32
    %mul3A_58 = arith.constant 128 : i32
    %mul3A_59 = arith.muli %select_n3A_57, %mul3A_58 : i32
    %dma_wait3A = arith.constant 0 : i32
    %dma_wait3A_60 = tpu.memref_slice %arg4[%mul3A_59, %select_n3A, %dma_wait3A] : memref<16384x32x128xf32, #tpu.memory_space<hbm>> -> memref<128x1x64xf32, #tpu.memory_space<hbm>>
    %dma_wait3A_61 = tpu.memref_squeeze %dma_wait3A_60 : memref<128x1x64xf32, #tpu.memory_space<hbm>> -> memref<128x64xf32, #tpu.memory_space<hbm>>
    %dma_wait3A_62 = arith.constant 0 : i32
    %dma_wait3A_63 = tpu.memref_slice %arg4[%mul3A_59, %select_n3A, %dma_wait3A_62] : memref<16384x32x128xf32, #tpu.memory_space<hbm>> -> memref<128x1x64xf32, #tpu.memory_space<hbm>>
    %dma_wait3A_64 = tpu.memref_squeeze %dma_wait3A_63 : memref<128x1x64xf32, #tpu.memory_space<hbm>> -> memref<128x64xf32, #tpu.memory_space<hbm>>
    tpu.wait_dma2 semaphore(%arg14 : memref<!tpu.dma_semaphore, #tpu.memory_space<semaphore_mem>>) src(%arg6 : memref<128x64xf32, #tpu.memory_space<vmem>>) dst(%dma_wait3A_64 : memref<128x64xf32, #tpu.memory_space<hbm>>)
    %jit3A_65 = arith.constant 128 : i32
    %div3A_66 = arith.divsi %mul3A_2, %jit3A_65 : i32
    %sign3A_67 = arith.constant 0 : i32
    %sign3A_68 = arith.cmpi sgt, %mul3A_2, %sign3A_67 : i32
    %sign3A_69 = arith.extui %sign3A_68 : i1 to i32
    %sign3A_70 = arith.constant 0 : i32
    %sign3A_71 = arith.cmpi slt, %mul3A_2, %sign3A_70 : i32
    %sign3A_72 = arith.extui %sign3A_71 : i1 to i32
    %sign3A_73 = arith.subi %sign3A_69, %sign3A_72 : i32
    %sign3A_74 = arith.constant 0 : i32
    %sign3A_75 = arith.cmpi sgt, %jit3A_65, %sign3A_74 : i32
    %sign3A_76 = arith.extui %sign3A_75 : i1 to i32
    %sign3A_77 = arith.constant 0 : i32
    %sign3A_78 = arith.cmpi slt, %jit3A_65, %sign3A_77 : i32
    %sign3A_79 = arith.extui %sign3A_78 : i1 to i32
    %sign3A_80 = arith.subi %sign3A_76, %sign3A_79 : i32
    %ne3A_81 = arith.cmpi ne, %sign3A_73, %sign3A_80 : i32
    %rem3A_82 = arith.remsi %mul3A_2, %jit3A_65 : i32
    %ne3A_83 = arith.constant 0 : i32
    %ne3A_84 = arith.cmpi ne, %rem3A_82, %ne3A_83 : i32
    %and3A_85 = arith.andi %ne3A_81, %ne3A_84 : i1
    %sub3A_86 = arith.constant 1 : i32
    %sub3A_87 = arith.subi %div3A_66, %sub3A_86 : i32
    %select_n3A_88 = arith.select %and3A_85, %sub3A_87, %div3A_66 : i32
    %jit3A_89 = arith.constant 128 : i32
    %eq3A_90 = arith.constant 0 : i32
    %eq3A_91 = arith.cmpi eq, %jit3A_89, %eq3A_90 : i32
    %jit3A_92 = arith.constant 1 : i32
    %select_n3A_93 = arith.select %eq3A_91, %jit3A_92, %jit3A_89 : i32
    %rem3A_94 = arith.remsi %mul3A_2, %select_n3A_93 : i32
    %ne3A_95 = arith.constant 0 : i32
    %ne3A_96 = arith.cmpi ne, %rem3A_94, %ne3A_95 : i32
    %lt3A_97 = arith.constant 0 : i32
    %lt3A_98 = arith.cmpi slt, %rem3A_94, %lt3A_97 : i32
    %lt3A_99 = arith.constant 0 : i32
    %lt3A_100 = arith.cmpi slt, %select_n3A_93, %lt3A_99 : i32
    %ne3A_101 = arith.xori %lt3A_98, %lt3A_100 : i1
    %and3A_102 = arith.andi %ne3A_101, %ne3A_96 : i1
    %add3A_103 = arith.addi %rem3A_94, %select_n3A_93 : i32
    %select_n3A_104 = arith.select %and3A_102, %add3A_103, %rem3A_94 : i32
    %mul3A_105 = arith.constant 128 : i32
    %mul3A_106 = arith.muli %select_n3A_104, %mul3A_105 : i32
    %dma_wait3A_107 = arith.constant 0 : i32
    %dma_wait3A_108 = tpu.memref_slice %arg4[%mul3A_106, %select_n3A_88, %dma_wait3A_107] : memref<16384x32x128xf32, #tpu.memory_space<hbm>> -> memref<128x1x64xf32, #tpu.memory_space<hbm>>
    %dma_wait3A_109 = tpu.memref_squeeze %dma_wait3A_108 : memref<128x1x64xf32, #tpu.memory_space<hbm>> -> memref<128x64xf32, #tpu.memory_space<hbm>>
    %dma_wait3A_110 = arith.constant 0 : i32
    %dma_wait3A_111 = tpu.memref_slice %arg4[%mul3A_106, %select_n3A_88, %dma_wait3A_110] : memref<16384x32x128xf32, #tpu.memory_space<hbm>> -> memref<128x1x64xf32, #tpu.memory_space<hbm>>
    %dma_wait3A_112 = tpu.memref_squeeze %dma_wait3A_111 : memref<128x1x64xf32, #tpu.memory_space<hbm>> -> memref<128x64xf32, #tpu.memory_space<hbm>>
    tpu.wait_dma2 semaphore(%arg15 : memref<!tpu.dma_semaphore, #tpu.memory_space<semaphore_mem>>) src(%arg7 : memref<128x64xf32, #tpu.memory_space<vmem>>) dst(%dma_wait3A_112 : memref<128x64xf32, #tpu.memory_space<hbm>>)
    %jit3A_113 = arith.constant 128 : i32
    %div3A_114 = arith.divsi %mul3A_2, %jit3A_113 : i32
    %sign3A_115 = arith.constant 0 : i32
    %sign3A_116 = arith.cmpi sgt, %mul3A_2, %sign3A_115 : i32
    %sign3A_117 = arith.extui %sign3A_116 : i1 to i32
    %sign3A_118 = arith.constant 0 : i32
    %sign3A_119 = arith.cmpi slt, %mul3A_2, %sign3A_118 : i32
    %sign3A_120 = arith.extui %sign3A_119 : i1 to i32
    %sign3A_121 = arith.subi %sign3A_117, %sign3A_120 : i32
    %sign3A_122 = arith.constant 0 : i32
    %sign3A_123 = arith.cmpi sgt, %jit3A_113, %sign3A_122 : i32
    %sign3A_124 = arith.extui %sign3A_123 : i1 to i32
    %sign3A_125 = arith.constant 0 : i32
    %sign3A_126 = arith.cmpi slt, %jit3A_113, %sign3A_125 : i32
    %sign3A_127 = arith.extui %sign3A_126 : i1 to i32
    %sign3A_128 = arith.subi %sign3A_124, %sign3A_127 : i32
    %ne3A_129 = arith.cmpi ne, %sign3A_121, %sign3A_128 : i32
    %rem3A_130 = arith.remsi %mul3A_2, %jit3A_113 : i32
    %ne3A_131 = arith.constant 0 : i32
    %ne3A_132 = arith.cmpi ne, %rem3A_130, %ne3A_131 : i32
    %and3A_133 = arith.andi %ne3A_129, %ne3A_132 : i1
    %sub3A_134 = arith.constant 1 : i32
    %sub3A_135 = arith.subi %div3A_114, %sub3A_134 : i32
    %select_n3A_136 = arith.select %and3A_133, %sub3A_135, %div3A_114 : i32
    %jit3A_137 = arith.constant 128 : i32
    %eq3A_138 = arith.constant 0 : i32
    %eq3A_139 = arith.cmpi eq, %jit3A_137, %eq3A_138 : i32
    %jit3A_140 = arith.constant 1 : i32
    %select_n3A_141 = arith.select %eq3A_139, %jit3A_140, %jit3A_137 : i32
    %rem3A_142 = arith.remsi %mul3A_2, %select_n3A_141 : i32
    %ne3A_143 = arith.constant 0 : i32
    %ne3A_144 = arith.cmpi ne, %rem3A_142, %ne3A_143 : i32
    %lt3A_145 = arith.constant 0 : i32
    %lt3A_146 = arith.cmpi slt, %rem3A_142, %lt3A_145 : i32
    %lt3A_147 = arith.constant 0 : i32
    %lt3A_148 = arith.cmpi slt, %select_n3A_141, %lt3A_147 : i32
    %ne3A_149 = arith.xori %lt3A_146, %lt3A_148 : i1
    %and3A_150 = arith.andi %ne3A_149, %ne3A_144 : i1
    %add3A_151 = arith.addi %rem3A_142, %select_n3A_141 : i32
    %select_n3A_152 = arith.select %and3A_150, %add3A_151, %rem3A_142 : i32
    %mul3A_153 = arith.constant 128 : i32
    %mul3A_154 = arith.muli %select_n3A_152, %mul3A_153 : i32
    %dma_wait3A_155 = arith.constant 0 : i32
    %dma_wait3A_156 = tpu.memref_slice %arg4[%mul3A_154, %select_n3A_136, %dma_wait3A_155] : memref<16384x32x128xf32, #tpu.memory_space<hbm>> -> memref<128x1x64xf32, #tpu.memory_space<hbm>>
    %dma_wait3A_157 = tpu.memref_squeeze %dma_wait3A_156 : memref<128x1x64xf32, #tpu.memory_space<hbm>> -> memref<128x64xf32, #tpu.memory_space<hbm>>
    %dma_wait3A_158 = arith.constant 0 : i32
    %dma_wait3A_159 = tpu.memref_slice %arg4[%mul3A_154, %select_n3A_136, %dma_wait3A_158] : memref<16384x32x128xf32, #tpu.memory_space<hbm>> -> memref<128x1x64xf32, #tpu.memory_space<hbm>>
    %dma_wait3A_160 = tpu.memref_squeeze %dma_wait3A_159 : memref<128x1x64xf32, #tpu.memory_space<hbm>> -> memref<128x64xf32, #tpu.memory_space<hbm>>
    tpu.wait_dma2 semaphore(%arg16 : memref<!tpu.dma_semaphore, #tpu.memory_space<semaphore_mem>>) src(%arg8 : memref<128x64xf32, #tpu.memory_space<vmem>>) dst(%dma_wait3A_160 : memref<128x64xf32, #tpu.memory_space<hbm>>)
    %jit3A_161 = arith.constant 128 : i32
    %div3A_162 = arith.divsi %mul3A_2, %jit3A_161 : i32
    %sign3A_163 = arith.constant 0 : i32
    %sign3A_164 = arith.cmpi sgt, %mul3A_2, %sign3A_163 : i32
    %sign3A_165 = arith.extui %sign3A_164 : i1 to i32
    %sign3A_166 = arith.constant 0 : i32
    %sign3A_167 = arith.cmpi slt, %mul3A_2, %sign3A_166 : i32
    %sign3A_168 = arith.extui %sign3A_167 : i1 to i32
    %sign3A_169 = arith.subi %sign3A_165, %sign3A_168 : i32
    %sign3A_170 = arith.constant 0 : i32
    %sign3A_171 = arith.cmpi sgt, %jit3A_161, %sign3A_170 : i32
    %sign3A_172 = arith.extui %sign3A_171 : i1 to i32
    %sign3A_173 = arith.constant 0 : i32
    %sign3A_174 = arith.cmpi slt, %jit3A_161, %sign3A_173 : i32
    %sign3A_175 = arith.extui %sign3A_174 : i1 to i32
    %sign3A_176 = arith.subi %sign3A_172, %sign3A_175 : i32
    %ne3A_177 = arith.cmpi ne, %sign3A_169, %sign3A_176 : i32
    %rem3A_178 = arith.remsi %mul3A_2, %jit3A_161 : i32
    %ne3A_179 = arith.constant 0 : i32
    %ne3A_180 = arith.cmpi ne, %rem3A_178, %ne3A_179 : i32
    %and3A_181 = arith.andi %ne3A_177, %ne3A_180 : i1
    %sub3A_182 = arith.constant 1 : i32
    %sub3A_183 = arith.subi %div3A_162, %sub3A_182 : i32
    %select_n3A_184 = arith.select %and3A_181, %sub3A_183, %div3A_162 : i32
    %jit3A_185 = arith.constant 128 : i32
    %eq3A_186 = arith.constant 0 : i32
    %eq3A_187 = arith.cmpi eq, %jit3A_185, %eq3A_186 : i32
    %jit3A_188 = arith.constant 1 : i32
    %select_n3A_189 = arith.select %eq3A_187, %jit3A_188, %jit3A_185 : i32
    %rem3A_190 = arith.remsi %mul3A_2, %select_n3A_189 : i32
    %ne3A_191 = arith.constant 0 : i32
    %ne3A_192 = arith.cmpi ne, %rem3A_190, %ne3A_191 : i32
    %lt3A_193 = arith.constant 0 : i32
    %lt3A_194 = arith.cmpi slt, %rem3A_190, %lt3A_193 : i32
    %lt3A_195 = arith.constant 0 : i32
    %lt3A_196 = arith.cmpi slt, %select_n3A_189, %lt3A_195 : i32
    %ne3A_197 = arith.xori %lt3A_194, %lt3A_196 : i1
    %and3A_198 = arith.andi %ne3A_197, %ne3A_192 : i1
    %add3A_199 = arith.addi %rem3A_190, %select_n3A_189 : i32
    %select_n3A_200 = arith.select %and3A_198, %add3A_199, %rem3A_190 : i32
    %mul3A_201 = arith.constant 128 : i32
    %mul3A_202 = arith.muli %select_n3A_200, %mul3A_201 : i32
    %dma_wait3A_203 = arith.constant 0 : i32
    %dma_wait3A_204 = tpu.memref_slice %arg4[%mul3A_202, %select_n3A_184, %dma_wait3A_203] : memref<16384x32x128xf32, #tpu.memory_space<hbm>> -> memref<128x1x64xf32, #tpu.memory_space<hbm>>
    %dma_wait3A_205 = tpu.memref_squeeze %dma_wait3A_204 : memref<128x1x64xf32, #tpu.memory_space<hbm>> -> memref<128x64xf32, #tpu.memory_space<hbm>>
    %dma_wait3A_206 = arith.constant 0 : i32
    %dma_wait3A_207 = tpu.memref_slice %arg4[%mul3A_202, %select_n3A_184, %dma_wait3A_206] : memref<16384x32x128xf32, #tpu.memory_space<hbm>> -> memref<128x1x64xf32, #tpu.memory_space<hbm>>
    %dma_wait3A_208 = tpu.memref_squeeze %dma_wait3A_207 : memref<128x1x64xf32, #tpu.memory_space<hbm>> -> memref<128x64xf32, #tpu.memory_space<hbm>>
    tpu.wait_dma2 semaphore(%arg17 : memref<!tpu.dma_semaphore, #tpu.memory_space<semaphore_mem>>) src(%arg9 : memref<128x64xf32, #tpu.memory_space<vmem>>) dst(%dma_wait3A_208 : memref<128x64xf32, #tpu.memory_space<hbm>>)
    return
  }
}

</mosaic_0001>

<sc_bundles>
// kernel: kernel.3.cloned.1.call-start
scs
__scs_entry_jumppad:
0x0: {  	(pc) =	sbr.rel $0x88, $3  }
0x1: {  	(tag) =	ssettag $0x0;
	lr =	simm.s32 $0x1  }
0x2: {  	[smem:$0x3F9F] =	sst lr;
	_ =	strace $0xD0000000  }
0x3: {  	_ = 	snop  }
0x4: {  	_ = 	snop  }
0x5: {  	_ = 	snop  }
0x6: {  	_ = 	snop  }
0x7: {  	_ = 	snop  }
__scs_overlays_trampoline_lowered:
0x8: {  	[smem:$0x3FAE] =	sst s0  }
0x9: {  	[smem:$0x3FAF] =	sst s1  }
0xa: {  	[smem:$0x3FB0] =	sst s2  }
0xb: {  	[smem:$0x3FB1] =	sst s3  }
0xc: {  	[smem:$0x3FB2] =	sst s4  }
0xd: {  	[smem:$0x3FB3] =	sst s5  }
0xe: {  	[smem:$0x3FB4] =	sst s6  }
0xf: {  	[smem:$0x3FB5] =	sst s7  }
0x10: {  	[smem:$0x3FB6] =	sst s8  }
0x11: {  	[smem:$0x3FB7] =	sst s9;
	s0 =	simm.s32 @!p0 $0x0  }
0x12: {  	s1 =	sld [smem:$0x3F9D];
	s0 =	simm.s32 @p0 $0x1  }
0x13: {  	[smem:$0x3FB8] =	sst s0;
	s0 =	simm.s32 @!p1 $0x0  }
0x14: {  	s2 =	sld [smem:$0x3F9C];
	s0 =	simm.s32 @p1 $0x1  }
0x15: {  	[smem:$0x3FB9] =	sst s0;
	s0 =	simm.s32 @!p2 $0x0  }
0x16: {  	s3 =	sld [smem:$0x3FDB];
	s0 =	simm.s32 @p2 $0x1  }
0x17: {  	s4 =	simm.s32 $0x1BF5;
	[smem:$0x3FBB] =	sst s0  }
0x18: {  	s0 =	sld [smem:$0x3F9E];
	_ =	swait.ge [sflag:s4], $0x0  }
0x19: {  	s7 =	sld [smem:$0x3F9F]  }
0x1a: {  	s8 =	sadd.s32 $0xFFFFE003, lr  }
0x1b: {  	s9 =	sadd.s32 $0xFFFFFEF7, lr;
	s5 =	simm.s32 $0xFFFFFFFF;
	p2 =	slt.u32 s8, $0xFFFFF086  }
0x1c: {  	p1 =	slt.u32 s9, $0xF7A;
	s5 =	simm.s32 @!p2 $0x0  }
0x1d: {  	s5 =	simm.s32 @p1 $0x1;
	p0 =	seq.s32 s7, s2  }
0x1e: {  	s7 =	smul.u32 @!p0 $0xF7A, s2;
	p2 =	seq.s32 @!p0 s5, $0x0  }
0x1f: {  	s9 =	smul.u32 $0xF7A, s1;
	s8 =	simm.s32 @!p0 $0x1BF5;
	p2 =	por !p2, p0  }
0x20: {  	[sflag:s8] =	ssyncset.s32 @!p0 $0xFFFFF086;
	s6 =	sadd.s32 @!p0 s3, s7;
	s7 =	simm.s32 @!p0 $0x108  }
0x21: {  	s3 =	sadd.s32 s3, s9;
	s6 =	sadd.s32 @!p0 $0x88, s6;
	s7 =	simm.s32 @p2 $0x1082  }
0x22: {  	[simem:s7], [sflag:s8] =	dma.local @!p0 [hbm:s6], $0xF7A  }
0x23: {  	s9 =	sor.u32 $0xD0000000, s2;
	s6 =	simm.s32 $0x108;
	_ =	swait.ge @!p0 [sflag:s8], $0x0  }
0x24: {  	s3 =	sadd.s32 $0x88, s3;
	s6 =	simm.s32 @!p1 $0x1082;
	[sflag:s4] =	ssyncset.s32 $0xFFFFF086  }
0x25: {  	[simem:s6], [sflag:s4] =	dma.local [hbm:s3], $0xF7A  }
0x26: {  	[smem:$0x3F9F] =	sst s1;
	(tag) =	ssettag s2;
	_ =	strace s9  }
0x27: {  	s1 =	sld [smem:$0x3FAF]  }
0x28: {  	s2 =	sld [smem:$0x3FB0]  }
0x29: {  	s4 =	sld [smem:$0x3FB2]  }
0x2a: {  	p0 =	seq.s32 s5, $0x0;
	s5 =	sld [smem:$0x3FB3]  }
0x2b: {  	s6 =	sld [smem:$0x3FB4]  }
0x2c: {  	s7 =	sld [smem:$0x3FB5]  }
0x2d: {  	s3 =	simm.s32 $0x108;
	s8 =	sld [smem:$0x3FB6]  }
0x2e: {  	s3 =	simm.s32 @!p0 $0x1082;
	s9 =	sld [smem:$0x3FB7]  }
0x2f: {  	lr =	sadd.s32 s0, s3;
	s0 =	sld [smem:$0x3FAE]  }
0x30: {  	s3 =	sld [smem:$0x3FB1]  }
0x31: {  	[smem:$0x3FBA] =	sst s10  }
0x32: {  	s10 =	sld [smem:$0x3FB8];
	_ =	sdelay $0x3  }
0x33: {  	p0 =	seq.s32 s10, $0x1;
	s10 =	sld [smem:$0x3FBA];
	_ =	sdelay $0x3  }
0x34: {  	[smem:$0x3FBA] =	sst s10  }
0x35: {  	s10 =	sld [smem:$0x3FB9];
	_ =	sdelay $0x3  }
0x36: {  	p1 =	seq.s32 s10, $0x1;
	s10 =	sld [smem:$0x3FBA];
	_ =	sdelay $0x3  }
0x37: {  	[smem:$0x3FBA] =	sst s10  }
0x38: {  	s10 =	sld [smem:$0x3FBB]  }
0x39: {  	_ = 	snop;
	(pc) =	sbr.ind lr, $3  }
0x3a: {  	_ = 	snop  }
0x3b: {  	_ = 	snop  }
0x3c: {  	p2 =	seq.s32 s10, $0x1;
	s10 =	sld [smem:$0x3FBA]  }
0x3d: {  	_ =	shalt  }
0x3e: {  	_ =	shalt  }
0x3f: {  	_ =	shalt  }
0x40: {  	_ =	shalt  }
0x41: {  	_ =	shalt  }
0x42: {  	_ =	shalt  }
0x43: {  	_ =	shalt  }
0x44: {  	_ =	shalt  }
0x45: {  	_ =	shalt  }
0x46: {  	_ =	shalt  }
0x47: {  	_ =	shalt  }
0x48: {  	_ =	shalt  }
0x49: {  	_ =	shalt  }
0x4a: {  	_ =	shalt  }
0x4b: {  	_ =	shalt  }
0x4c: {  	_ =	shalt  }
0x4d: {  	_ =	shalt  }
0x4e: {  	_ =	shalt  }
0x4f: {  	_ =	shalt  }
0x50: {  	_ =	shalt  }
0x51: {  	_ =	shalt  }
0x52: {  	_ =	shalt  }
0x53: {  	_ =	shalt  }
0x54: {  	_ =	shalt  }
0x55: {  	_ =	shalt  }
0x56: {  	_ =	shalt  }
0x57: {  	_ =	shalt  }
0x58: {  	_ =	shalt  }
0x59: {  	_ =	shalt  }
0x5a: {  	_ =	shalt  }
0x5b: {  	_ =	shalt  }
0x5c: {  	_ =	shalt  }
0x5d: {  	_ =	shalt  }
0x5e: {  	_ =	shalt  }
0x5f: {  	_ =	shalt  }
0x60: {  	_ =	shalt  }
0x61: {  	_ =	shalt  }
0x62: {  	_ =	shalt  }
0x63: {  	_ =	shalt  }
0x64: {  	_ =	shalt  }
0x65: {  	_ =	shalt  }
0x66: {  	_ =	shalt  }
0x67: {  	_ =	shalt  }
0x68: {  	_ =	shalt  }
0x69: {  	_ =	shalt  }
0x6a: {  	_ =	shalt  }
0x6b: {  	_ =	shalt  }
0x6c: {  	_ =	shalt  }
0x6d: {  	_ =	shalt  }
0x6e: {  	_ =	shalt  }
0x6f: {  	_ =	shalt  }
0x70: {  	_ =	shalt  }
0x71: {  	_ =	shalt  }
0x72: {  	_ =	shalt  }
0x73: {  	_ =	shalt  }
0x74: {  	_ =	shalt  }
0x75: {  	_ =	shalt  }
0x76: {  	_ =	shalt  }
0x77: {  	_ =	shalt  }
0x78: {  	_ =	shalt  }
0x79: {  	_ =	shalt  }
0x7a: {  	_ =	shalt  }
0x7b: {  	_ =	shalt  }
0x7c: {  	_ =	shalt  }
0x7d: {  	_ =	shalt  }
0x7e: {  	_ =	shalt  }
0x7f: {  	_ =	shalt  }
0x80: {  	_ =	shalt  }
0x81: {  	_ =	shalt  }
0x82: {  	_ =	shalt  }
0x83: {  	_ =	shalt  }
0x84: {  	_ =	shalt  }
0x85: {  	_ =	shalt  }
0x86: {  	_ =	shalt  }
0x87: {  	_ =	shalt  }
.Lfunc_end0:
.L_simem_size_0:
called_computation.2_lowered:
.L_overlay_start_0:
0x88: {  	s2 =	sld [smem:$0x3FD9]  }
0x89: {  	s3 =	sld [smem:$0x3FFE];
	_ =	sdelay $0x1  }
0x8a: {  	s1 =	srdreg.scid  }
0x8b: {  	s0 =	sand.u32 $0x1, s1  }
0x8c: {  	s17 =	sshll.u32 s0, $0xA;
	s2 =	sadd.s32 s3, s2  }
0x8d: {  	s2 =	sadd.s32 s2, s17  }
0x8e: {  	[smem:$0x3FC6] =	sst s2  }
0x8f: {  	_ = 	snop  }
0x90: {  	s2 =	sld [smem:$0x3FD0];
	(tm) =	ssettm $0x1  }
0x91: {  	s18 =	sld [smem:$0x3FFB];
	_ =	sdelay $0x3  }
0x92: {  	_ =	strace s18  }
0x93: {  	s3 =	sld [smem:$0x3FFC];
	_ =	sdelay $0x3  }
0x94: {  	_ =	strace s3  }
0x95: {  	s3 =	sld [smem:$0x3FFD];
	_ =	sdelay $0x3  }
0x96: {  	_ =	strace s3  }
0x97: {  	_ =	strace $0x8FFFFFFF  }
0x98: {  	s19 =	sld [smem:$0x3FDB];
	_ =	sdelay $0x1  }
0x99: {  	s4 =	simm.s32 $_scs_section_size  }
0x9a: {  	s5 =	simm.s32 $_size__tile_overlayer_lowered;
	s6 =	simm.s32 $_tile_overlayer_lowered  }
0x9b: {  	s22 =	simm.s32 $0x1BFF;
	s21 =	sshll.u32 s6, $0x1;
	s3 =	sadd.s32 s4, s19  }
0x9c: {  	s7 =	simm.s32 $0x0;
	s20 =	sshll.u32 s5, $0x1;
	s5 =	sadd.s32 s21, s3  }
0x9d: {  	[timem:s7], [sflag:s22] =	dma.local [hbm:s5], s20  }
0x9e: {  	_ =	swait.ge [sflag:s22], s20  }
0x9f: {  	s4 =	ssub.s32 $0x0, s20;
	[sflag:s22] =	ssyncset.done $0x0  }
0xa0: {  	[sflag:s22] =	ssyncadd.s32 s4;
	_ =	sdelay $0x1  }
0xa1: {  	s23 =	simm.s32 $0x1B8B  }
0xa2: {  	_ =	swait.ge [sflag:s23], $0x1  }
0xa3: {  	[sflag:s23] =	ssyncset.done $0x0  }
0xa4: {  	s25 =	simm.s32 $0x1B8E;
	s24 =	sld [smem:$0x3FFE];
	[sflag:s23] =	ssyncadd.s32 $0xFFFFFFFF  }
0xa5: {  	s26 =	simm.s32 $execute0_lowered;
	[smem:$0x3FD2] =	sst s25  }
0xa6: {  	s5 =	sshll.u32 s26, $0x1;
	_ =	strace $0x80000049;
	[dreg:$0x1] =	wrdreg $0xFFFFFFFF  }
0xa7: {  	s28 =	simm.s32 $_size_execute0_lowered;
	s3 =	sadd.s32 s3, s5;
	[dreg:$0x0] =	wrdreg $0x0  }
0xa8: {  	s5 =	sshll.u32 s28, $0x1;
	[dreg:$0x2] =	wrdreg s3  }
0xa9: {  	[dreg:$0x3] =	wrdreg s5  }
0xaa: {  	[dreg:$0x4] =	wrdreg $0xC0  }
0xab: {  	_ =	task [dreg:s7], $0x5FFFF  }
0xac: {  	[dreg:$0x1] =	wrdreg $0xFFFFFFFF  }
0xad: {  	[dreg:$0x0] =	wrdreg $0x60  }
0xae: {  	[dreg:$0x2] =	wrdreg s2  }
0xaf: {  	[dreg:$0x3] =	wrdreg s24  }
0xb0: {  	[dreg:$0x4] =	wrdreg $0x9  }
0xb1: {  	_ =	task.clear_ibuf [dreg:s7], $0x5FFFF;
	_ =	strace $0x90000049  }
0xb2: {  	s29 =	simm.s32 $0x9;
	_ =	strace $0x8000004B  }
0xb3: {  	_ =	swait.ge [sflag:s29], $0x1  }
0xb4: {  	[sflag:s29] =	ssyncadd.s32 $0xFFFFFFFF  }
0xb5: {  	_ =	strace $0x9000004B  }
0xb6: {  	_ =	sfence  }
0xb7: {  	s30 =	sld [smem:$0x0];
	_ =	sdelay $0x2  }
0xb8: {  	s31 =	sshll.u32 s1, $0xD;
	s1 =	sshrl.u32 s1, $0x2  }
0xb9: {  	s3 =	sand.u32 $0x4000, s31;
	s1 =	sadd.s32 s1, s30  }
0xba: {  	s0 =	sor.u32 s3, s0;
	s1 =	sshll.u32 s1, $0x11  }
0xbb: {  	s0 =	sor.u32 s1, s0  }
0xbc: {  	s0 =	sadd.s32 $0x8F2B, s0  }
0xbd: {  	[sflag:s0] =	ssyncadd.remote.s32 $0x1  }
0xbe: {  	_ =	sfence.sel $0xFFFF  }
0xbf: {  	[dreg:$0x0] =	wrdreg $0xFFFFFFFF;
	(pc) =	sbr.abs _section_cstart, $3  }
0xc0: {  	[dreg:$0x1] =	wrdreg $0xFFFFFFFF  }
0xc1: {  	_ =	task.clear_ibuf [dreg:s7], $0x2FFFF;
	_ =	strace $0x9FFFFFFF  }
0xc2: {  	(tm) =	ssettm $0x7FFFFFFF  }
0xc3: {  	_ =	shalt  }
tec
execute0_lowered:
.L_overlay_start_1:
0x0: {  	(tag) =	ssettag $0x1  }
0x1: {  	s1 =	srdreg.scid;
	s5 =	rddreg [dreg:$0x0]  }
0x2: {  	s0 =	stileid.u32;
	s4 =	rddreg [dreg:$0x1]  }
0x3: {  	s29 =	simm.s32 $0x0;
	s14 =	simm.s32 $0x7400;
	s15 =	simm.s32 $0x1  }
0x4: {  	s16 =	simm.s32 $0x40;
	s17 =	simm.s32 $0x1000;
	s18 =	simm.s32 $0x9400  }
0x5: {  	s19 =	simm.s32 $0x2;
	s20 =	simm.s32 $0x3;
	s21 =	simm.s32 $0x4  }
0x6: {  	s22 =	simm.s32 $0x5;
	s23 =	simm.s32 $0x6;
	s8 =	smul.u32 $0xD0, s0  }
0x7: {  	s24 =	simm.s32 $0x7;
	s6 =	sand.u32 $0x1, s1;
	s11 =	smul.u32 $0x6800000, s0  }
0x8: {  	s25 =	simm.s32 $0x8;
	s28 =	sshll.u32 s0, $0x1;
	s9 =	smul.u32 $0x68, s6  }
0x9: {  	s26 =	simm.s32 $0x0;
	s3 =	sor.u32 s6, s28;
	s13 =	smul.u32 $0x3400000, s6  }
0xa: {  	[smem:$0x7FF] =	sst s29;
	s10 =	ssub.s32 $0x2, s6;
	s7 =	smul.u32 $0x680, s3  }
.Ltmp0:
0xb: {  	_ =	strace $0x8000004A;
	s12 =	sshrl.u32 s10, $0x1;
	(pc) =	sbr.rel .LBB2_1-.Ltmp0, $4  }
0xc: {  	s3 =	sadd.s32 $0xF43200, s4;
	s4 =	sadd.s32 $0xE00, s4;
	s30 =	ssub.s32 s10, s12  }
0xd: {  	s31 =	sadd.s32 s9, s8;
	s8 =	sadd.s32 s13, s11;
	s9 =	simm.s32 $0x9  }
0xe: {  	s10 =	simm.s32 $0x80;
	s11 =	simm.s32 $0x3400;
	s12 =	simm.s32 $0x5400  }
0xf: {  	s5 =	sadd.s32 s5, s7;
	s6 =	smax.u32 s30, $0x1;
	s7 =	sor.u32 $0x1, s31  }
.LBB2_4:
0x10: {  	_ =	swait.ge [sflag:s22], $0x2000  }
0x11: {  	[sflag:s22] =	ssyncset.done $0x0  }
0x12: {  	[sflag:s22] =	ssyncadd.s32 $0xFFFFE000  }
0x13: {  	_ =	swait.ge [sflag:s23], $0x2000  }
0x14: {  	[sflag:s23] =	ssyncset.done $0x0  }
0x15: {  	s26 =	sadd.s32 $0x1, s26;
	[sflag:s23] =	ssyncadd.s32 $0xFFFFE000  }
0x16: {  	p0 =	sne.s32 s26, s6;
	_ =	swait.ge [sflag:s24], $0x2000  }
.Ltmp1:
0x17: {  	[sflag:s24] =	ssyncset.done $0x0;
	(pc) =	sbr.rel @!p0 .LBB2_5-.Ltmp1, $4  }
0x18: {  	[sflag:s24] =	ssyncadd.s32 $0xFFFFE000  }
0x19: {  	_ =	swait.ge [sflag:s25], $0x2000  }
0x1a: {  	[sflag:s25] =	ssyncset.done $0x0  }
0x1b: {  	[sflag:s25] =	ssyncadd.s32 $0xFFFFE000  }
.LBB2_1:
0x1c: {  	s0 =	simm.s32 $0x0  }
0x1d: {  	[tilespmem:s0], [sflag:$0x9] =	stream.linear.gather [hbm4b:s5+s0], $0x3400, $0x38;
	[tilespmem:$0xB400] =	vst v63  }
0x1e: {  	_ =	swait.ge [sflag:s9], $0x3400  }
0x1f: {  	[sflag:s9] =	ssyncset.done $0x0  }
0x20: {  	[sflag:s9] =	ssyncadd.s32 $0xFFFFCC00  }
0x21: {  	[tilespmem:s11], [sflag:$0x1] =	stream.indirect.gather [hbm4b:s3+s10], $0x40, s0, s10, $0xb8;
	[tilespmem:$0xB400] =	vst v63  }
0x22: {  	s31 =	simm.s32 $0x100  }
0x23: {  	[tilespmem:s12], [sflag:$0x2] =	stream.indirect.gather [hbm4b:s3+s10], $0x40, s10, s10, $0xb8;
	[tilespmem:$0xB400] =	vst v63  }
0x24: {  	s28 =	smov.u32 s8;
	s29 =	smov.u32 s7;
	s30 =	simm.s32 $0x0  }
0x25: {  	[tilespmem:s14], [sflag:$0x3] =	stream.indirect.gather [hbm4b:s3+s10], $0x40, s31, s10, $0xb8;
	[tilespmem:$0xB400] =	vst v63  }
.LBB2_2:
0x26: {  	s31 =	sadd.s32 $0xFFFFFFFF, s29  }
0x27: {  	s1 =	sand.u32 $0x3E00000, s28;
	s31 =	sand.u32 $0x1F80, s31  }
0x28: {  	_ =	swait.ge [sflag:s15], $0x2000;
	s1 =	sor.u32 s31, s1  }
0x29: {  	[sflag:s15] =	ssyncset.done $0x0;
	s1 =	sshrl.u32 s1, $0x3  }
0x2a: {  	p0 =	seq.s32 s30, $0x0;
	[sflag:s15] =	ssyncadd.s32 $0xFFFFE000;
	s1 =	sadd.s32 s4, s1  }
0x2b: {  	[hbm4b:s1+s16] =	stream.strided.scatter [tilespmem:s11], [sflag:$0x5], $0x2000, s17, s16, $0x38;
	[tilespmem:$0xB400] =	vst v63  }
0x2c: {  	s1 =	simm.s32 @!p0 $0x8  }
0x2d: {  	s31 =	sshra.s32 s30, $0x2;
	_ =	swait.ge @!p0 [sflag:s1], $0x2000  }
0x2e: {  	s0 =	sadd.s32 $0x80000, s28;
	s13 =	sadd.s32 $0x180, s31;
	[sflag:s1] =	ssyncset.done @!p0 $0x0  }
0x2f: {  	[sflag:s1] =	ssyncadd.s32 @!p0 $0xFFFFE000;
	s1 =	sand.u32 $0x3E80000, s0;
	s0 =	sand.u32 $0x1F80, s29  }
0x30: {  	[tilespmem:s18], [sflag:$0x4] =	stream.indirect.gather [hbm4b:s3+s10], $0x40, s13, s10, $0xb8;
	[tilespmem:$0xB400] =	vst v63  }
0x31: {  	s0 =	sor.u32 s0, s1;
	_ =	swait.ge [sflag:s19], $0x2000  }
0x32: {  	s0 =	sshrl.u32 s0, $0x3;
	[sflag:s19] =	ssyncset.done $0x0  }
0x33: {  	p0 =	seq.s32 s30, $0xC800;
	s0 =	sadd.s32 s4, s0;
	[sflag:s19] =	ssyncadd.s32 $0xFFFFE000  }
0x34: {  	[hbm4b:s0+s16] =	stream.strided.scatter [tilespmem:s12], [sflag:$0x6], $0x2000, s17, s16, $0x38;
	[tilespmem:$0xB400] =	vst v63  }
0x35: {  	s0 =	simm.s32 @!p0 $0x5  }
0x36: {  	_ =	swait.ge @!p0 [sflag:s0], $0x2000  }
0x37: {  	[sflag:s0] =	ssyncset.done @!p0 $0x0  }
0x38: {  	[sflag:s0] =	ssyncadd.s32 @!p0 $0xFFFFE000;
	s0 =	sshra.s32 @!p0 s30, $0x2  }
0x39: {  	s13 =	simm.s32 @!p0 $0x80;
	s2 =	simm.s32 @!p0 $0x3400;
	s1 =	sadd.s32 @!p0 $0x200, s0  }
0x3a: {  	[tilespmem:s2], [sflag:$0x1] =	stream.indirect.gather @!p0 [hbm4b:s3+s13], $0x40, s1, s13, $0xb8;
	[tilespmem:$0xB400] =	vst v63  }
0x3b: {  	s1 =	sadd.s32 $0x1, s29;
	s2 =	sadd.s32 $0x100000, s28  }
0x3c: {  	s2 =	sand.u32 $0x3F00000, s2;
	s1 =	sand.u32 $0x1F80, s1  }
0x3d: {  	_ =	swait.ge [sflag:s20], $0x2000;
	s1 =	sor.u32 s1, s2  }
0x3e: {  	[sflag:s20] =	ssyncset.done $0x0;
	s1 =	sshrl.u32 s1, $0x3  }
0x3f: {  	[sflag:s20] =	ssyncadd.s32 $0xFFFFE000;
	s1 =	sadd.s32 s4, s1  }
0x40: {  	[hbm4b:s1+s16] =	stream.strided.scatter [tilespmem:s14], [sflag:$0x7], $0x2000, s17, s16, $0x38;
	[tilespmem:$0xB400] =	vst v63  }
0x41: {  	s1 =	simm.s32 @!p0 $0x6  }
0x42: {  	_ =	swait.ge @!p0 [sflag:s1], $0x2000  }
0x43: {  	[sflag:s1] =	ssyncset.done @!p0 $0x0  }
0x44: {  	s0 =	sadd.s32 @!p0 $0x280, s0;
	[sflag:s1] =	ssyncadd.s32 @!p0 $0xFFFFE000;
	s1 =	simm.s32 @!p0 $0x5400  }
0x45: {  	[tilespmem:s1], [sflag:$0x2] =	stream.indirect.gather @!p0 [hbm4b:s3+s13], $0x40, s0, s13, $0xb8;
	[tilespmem:$0xB400] =	vst v63  }
0x46: {  	s2 =	sadd.s32 $0x2, s29;
	s13 =	sadd.s32 $0x180000, s28  }
.Ltmp2:
0x47: {  	s0 =	sand.u32 $0x1F80, s2;
	s1 =	sand.u32 $0x3F80000, s13;
	(pc) =	sbr.rel @p0 .LBB2_4-.Ltmp2, $4  }
0x48: {  	_ =	swait.ge [sflag:s21], $0x2000;
	s0 =	sor.u32 s0, s1  }
0x49: {  	[sflag:s21] =	ssyncset.done $0x0;
	s0 =	sshrl.u32 s0, $0x3  }
0x4a: {  	[sflag:s21] =	ssyncadd.s32 $0xFFFFE000;
	s0 =	sadd.s32 s4, s0  }
0x4b: {  	[hbm4b:s0+s16] =	stream.strided.scatter [tilespmem:s18], [sflag:$0x8], $0x2000, s17, s16, $0x38;
	[tilespmem:$0xB400] =	vst v63  }
.Ltmp3:
0x4c: {  	(pc) =	sbr.rel .LBB2_2-.Ltmp3, $4  }
0x4d: {  	_ =	swait.ge [sflag:s24], $0x2000  }
0x4e: {  	s0 =	sadd.s32 $0x300, s31;
	s30 =	sadd.s32 $0x800, s30;
	[sflag:s24] =	ssyncset.done $0x0  }
0x4f: {  	s29 =	sadd.s32 $0x4, s29;
	s28 =	sadd.s32 $0x200000, s28;
	[sflag:s24] =	ssyncadd.s32 $0xFFFFE000  }
0x50: {  	[tilespmem:s14], [sflag:$0x3] =	stream.indirect.gather [hbm4b:s3+s10], $0x40, s0, s10, $0xb8;
	[tilespmem:$0xB400] =	vst v63  }
.LBB2_5:
0x51: {  	_ =	sfence.sel $0x180000  }
0x52: {  	[bflag:$0x0] =	sbarrier.arrive $0xFFFF  }
0x53: {  	_ =	strace $0x9000004A  }
0x54: {  	s0 =	stileid.u32;
	[bflag:$0x2] =	sbarrier.arrive $0xFFFF  }
0x55: {  	p0 =	sne.s32 s0, $0x0;
	s0 =	rddreg [dreg:$0x2]  }
0x56: {  	s0 =	sadd.s32 @!p0 $0x100000, s0  }
0x57: {  	[sflag:s0] =	ssyncadd.tile.s32 @!p0 $0x1;
	_ =	shalt  }
.Lfunc_end2:
_tile_overlayer_lowered:
.L_overlay_start_2:
0x58: {  	(tag) =	ssettag $0x2  }
0x59: {  	s0 =	rddreg [dreg:$0x0];
	s2 =	stileid.u32  }
0x5a: {  	s1 =	rddreg [dreg:$0x1];
	p0 =	sne.s32 s2, $0x0  }
0x5b: {  	s3 =	rddreg [dreg:$0x2];
	[bflag:$0x3] =	sbarrier.arrive $0xFFFF;
	s2 =	simm.s32 @!p0 $0x1C09  }
0x5c: {  	[timem:s3], [sflag:s2] =	dma.local @!p0 [hbm:s0], s1  }
0x5d: {  	s0 =	simm.s32 @!p0 $0x9  }
0x5e: {  	_ =	swait.ge @!p0 [sflag:s0], s1  }
0x5f: {  	s1 =	ssub.s32 @!p0 $0x0, s1;
	[sflag:s0] =	ssyncset.done @!p0 $0x0  }
0x60: {  	[sflag:s0] =	ssyncadd.s32 @!p0 s1  }
0x61: {  	[bflag:$0x3] =	sbarrier.arrive $0xFFFF  }
0x62: {  	_ =	shalt  }

// kernel: sparse-core-data-format-call.1.cloned.1.call-start
scs
called_computation.1_lowered:
.L_overlay_start_0:
0x0: {  	s2 =	sld [smem:$0x3FD9]  }
0x1: {  	s3 =	sld [smem:$0x3FFE];
	_ =	sdelay $0x1  }
0x2: {  	s1 =	srdreg.scid  }
0x3: {  	s0 =	sand.u32 $0x1, s1  }
0x4: {  	s18 =	sshll.u32 s0, $0xA;
	s2 =	sadd.s32 s3, s2  }
0x5: {  	s2 =	sadd.s32 s2, s18  }
0x6: {  	[smem:$0x3FC6] =	sst s2  }
0x7: {  	_ = 	snop  }
0x8: {  	s2 =	sld [smem:$0x3FC8];
	(tm) =	ssettm $0x1  }
0x9: {  	s19 =	sld [smem:$0x3FFB];
	_ =	sdelay $0x3  }
0xa: {  	_ =	strace s19  }
0xb: {  	s3 =	sld [smem:$0x3FFC];
	_ =	sdelay $0x3  }
0xc: {  	_ =	strace s3  }
0xd: {  	s3 =	sld [smem:$0x3FFD];
	_ =	sdelay $0x3  }
0xe: {  	_ =	strace s3  }
0xf: {  	_ =	strace $0x8FFFFFFF  }
0x10: {  	s20 =	sld [smem:$0x3FDB];
	_ =	sdelay $0x1  }
0x11: {  	s4 =	simm.s32 $_scs_section_size  }
0x12: {  	s5 =	simm.s32 $_size__tile_overlayer_lowered;
	s6 =	simm.s32 $_tile_overlayer_lowered  }
0x13: {  	s23 =	simm.s32 $0x1BFF;
	s22 =	sshll.u32 s6, $0x1;
	s3 =	sadd.s32 s4, s20  }
0x14: {  	s7 =	simm.s32 $0x0;
	s21 =	sshll.u32 s5, $0x1;
	s5 =	sadd.s32 s22, s3  }
0x15: {  	[timem:s7], [sflag:s23] =	dma.local [hbm:s5], s21  }
0x16: {  	_ =	swait.ge [sflag:s23], s21  }
0x17: {  	s4 =	ssub.s32 $0x0, s21;
	[sflag:s23] =	ssyncset.done $0x0  }
0x18: {  	[sflag:s23] =	ssyncadd.s32 s4;
	_ =	sdelay $0x1  }
0x19: {  	s24 =	simm.s32 $0x1B8B  }
0x1a: {  	_ =	swait.ge [sflag:s24], $0x1  }
0x1b: {  	[sflag:s24] =	ssyncset.done $0x0  }
0x1c: {  	s26 =	simm.s32 $0x1B8E;
	s25 =	sld [smem:$0x3FFE];
	[sflag:s24] =	ssyncadd.s32 $0xFFFFFFFF  }
0x1d: {  	s27 =	simm.s32 $execute0_lowered;
	[smem:$0x3FD2] =	sst s26  }
0x1e: {  	s5 =	sshll.u32 s27, $0x1;
	_ =	strace $0x80000046;
	[dreg:$0x1] =	wrdreg $0xFFFFFFFF  }
0x1f: {  	s28 =	simm.s32 $_size_execute0_lowered;
	s3 =	sadd.s32 s3, s5;
	[dreg:$0x0] =	wrdreg $0x0  }
0x20: {  	s5 =	sshll.u32 s28, $0x1;
	[dreg:$0x2] =	wrdreg s3  }
0x21: {  	[dreg:$0x3] =	wrdreg s5  }
0x22: {  	[dreg:$0x4] =	wrdreg $0xC0  }
0x23: {  	_ =	task [dreg:s7], $0x5FFFF  }
0x24: {  	[dreg:$0x1] =	wrdreg $0xFFFFFFFF  }
0x25: {  	[dreg:$0x0] =	wrdreg $0x60  }
0x26: {  	[dreg:$0x2] =	wrdreg s2  }
0x27: {  	[dreg:$0x3] =	wrdreg s25  }
0x28: {  	[dreg:$0x4] =	wrdreg $0x9  }
0x29: {  	_ =	task.clear_ibuf [dreg:s7], $0x5FFFF;
	_ =	strace $0x90000046  }
0x2a: {  	s29 =	simm.s32 $0x9;
	_ =	strace $0x80000048  }
0x2b: {  	_ =	swait.ge [sflag:s29], $0x1  }
0x2c: {  	[sflag:s29] =	ssyncadd.s32 $0xFFFFFFFF  }
0x2d: {  	_ =	strace $0x90000048  }
0x2e: {  	_ =	sfence  }
0x2f: {  	s30 =	sld [smem:$0x0];
	_ =	sdelay $0x2  }
0x30: {  	s31 =	sshll.u32 s1, $0xD;
	s1 =	sshrl.u32 s1, $0x2  }
0x31: {  	s3 =	sand.u32 $0x4000, s31;
	s1 =	sadd.s32 s1, s30  }
0x32: {  	s0 =	sor.u32 s3, s0;
	s1 =	sshll.u32 s1, $0x11  }
0x33: {  	s0 =	sor.u32 s1, s0  }
0x34: {  	s0 =	sadd.s32 $0x8F2B, s0  }
0x35: {  	[sflag:s0] =	ssyncadd.remote.s32 $0x1  }
0x36: {  	_ =	sfence.sel $0xFFFF  }
0x37: {  	[dreg:$0x0] =	wrdreg $0xFFFFFFFF;
	(pc) =	sbr.abs _section_cstart, $3  }
0x38: {  	[dreg:$0x1] =	wrdreg $0xFFFFFFFF  }
0x39: {  	_ =	task.clear_ibuf [dreg:s7], $0x2FFFF;
	_ =	strace $0x9FFFFFFF  }
0x3a: {  	(tm) =	ssettm $0x7FFFFFFF  }
0x3b: {  	_ =	shalt  }
tec
execute0_lowered:
.L_overlay_start_1:
0x0: {  	(tag) =	ssettag $0x1  }
0x1: {  	s0 =	srdreg.scid;
	s2 =	rddreg [dreg:$0x0]  }
0x2: {  	s5 =	rddreg [dreg:$0x1];
	s1 =	stileid.u32  }
0x3: {  	s4 =	simm.s32 $0x1;
	s6 =	simm.s32 $0x2;
	s15 =	simm.s32 $0x0  }
0x4: {  	p0 =	por $0x0, $0x0;
	s8 =	simm.s32 $0x80;
	s0 =	sshll.u32 s0, $0x4  }
0x5: {  	s14 =	simm.s32 $0x0;
	s9 =	simm.s32 $0x0;
	s3 =	sand.u32 $0x10, s0  }
.Ltmp0:
0x6: {  	s10 =	simm.s32 $0x0;
	s3 =	sor.u32 s1, s3;
	(pc) =	sbr.rel .LBB1_1-.Ltmp0, $4  }
0x7: {  	s0 =	rddreg [dreg:$0x2];
	_ =	strace $0x80000047;
	s3 =	sshll.u32 s3, $0x7  }
0x8: {  	s12 =	simm.s32 $0x0;
	[sflag:s4] =	ssyncpa.u1 $0x0;
	s7 =	ssub.s32 $0xF4200, s3  }
0x9: {  	s13 =	simm.s32 $0x0;
	[sflag:s6] =	ssyncpa.u1 $0x0;
	s6 =	sshrl.u32 s7, $0xC  }
0xa: {  	s5 =	sadd.s32 $0xE00, s5;
	s11 =	smov.u32 s3;
	s7 =	sadd.s32 $0x2, s6  }
.LBB1_5:
0xb: {  	p1 =	slt.u32 s13, $0x2  }
0xc: {  	s17 =	smov.u32 s15;
	p2 =	sgt.s32 @!p1 s15, $0xF41C0;
	s16 =	sshra.s32 @!p1 s15, $0x1F  }
0xd: {  	p3 =	sgt.s32 @!p1 s14, $0x40;
	s18 =	sshra.s32 @!p1 s14, $0x1F;
	p2 =	por !p2, p1  }
0xe: {  	s15 =	sand.u32 @!p1 s16, s15;
	p3 =	por !p3, p1;
	s16 =	smov.u32 s14  }
0xf: {  	s14 =	sand.u32 @!p1 s18, s14;
	s17 =	simm.s32 @p2 $0xF41C0;
	s16 =	simm.s32 @p3 $0x40  }
0x10: {  	s15 =	ssub.s32 @!p1 s17, s15;
	s14 =	ssub.s32 @!p1 s16, s14  }
0x11: {  	s18 =	smov.u32 s12;
	s16 =	sadd.s32 @!p1 $0xFFF0BE40, s15;
	s17 =	sadd.s32 @!p1 $0xFFFFFFC0, s14  }
0x12: {  	s15 =	ssub.s32 @!p1 $0xF4240, s15;
	p2 =	sgt.s32 @!p1 s16, $0x7F;
	p3 =	sgt.s32 @!p1 s17, $0x3F  }
0x13: {  	s14 =	ssub.s32 @!p1 $0x80, s14;
	p2 =	por !p2, p1;
	p3 =	por !p3, p1  }
0x14: {  	s16 =	sadd.s32 $0x1000, s11;
	s15 =	simm.s32 @!p2 $0x0;
	s14 =	simm.s32 @!p3 $0x0  }
0x15: {  	p2 =	sgt.s32 s16, $0xF423F;
	s14 =	smul.u32 @!p1 s14, s15;
	s15 =	sadd.s32 $0x40, s12  }
0x16: {  	s18 =	smov.u32 @p2 s15  }
0x17: {  	s16 =	smov.u32 @p2 s3;
	p2 =	sgt.s32 s18, $0x3F  }
0x18: {  	s18 =	simm.s32 @p2 $0x0;
	p2 =	sne.s32 s13, s7  }
.Ltmp1:
0x19: {  	p0 =	por !p0, !p0;
	s17 =	simm.s32 @!p1 $0x2;
	(pc) =	sbr.rel @!p2 .LBB1_6-.Ltmp1, $4  }
0x1a: {  	s15 =	smov.u32 s9;
	s9 =	smov.u32 s11;
	s14 =	sand.u32 @!p1 $0x3FFFFFFF, s14  }
0x1b: {  	s11 =	smov.u32 s16;
	_ =	swait.ge @!p1 [sflag:s17], s14;
	s19 =	ssub.s32 @!p1 $0x0, s14  }
0x1c: {  	s14 =	smov.u32 s10;
	s13 =	sadd.s32 $0x1, s13;
	[sflag:s17] =	ssyncset.done @!p1 $0x0  }
0x1d: {  	s10 =	smov.u32 s12;
	s12 =	smov.u32 s18;
	[sflag:s17] =	ssyncadd.s32 @!p1 s19  }
.LBB1_1:
0x1e: {  	p1 =	sgt.u32 s13, s6  }
0x1f: {  	s16 =	sshrl.u32 @!p1 s12, $0x3  }
0x20: {  	s17 =	sshll.u32 @!p1 s11, $0x3;
	s16 =	smul.u32 @!p1 $0x7A1400, s16  }
0x21: {  	s18 =	sshll.u32 @!p1 s12, $0x7;
	s17 =	sand.u32 @!p1 $0xFFFFFC00, s17  }
0x22: {  	s16 =	sadd.s32 @!p1 s16, s17;
	s17 =	sand.u32 @!p1 $0x380, s18  }
0x23: {  	s18 =	sand.u32 @!p1 $0x7F, s11;
	s16 =	sor.u32 @!p1 s17, s16  }
0x24: {  	s17 =	sor.u32 @!p1 s18, s16  }
0x25: {  	s18 =	smulhi.u32 @!p1 $0x218D6287, s17;
	_ =	sdelay $0x1  }
0x26: {  	s16 =	smulhi.u32 @!p1 $0x218D6287, s16;
	s18 =	sshrl.u32 @!p1 s18, $0x11  }
0x27: {  	s18 =	smul.u32 @!p1 $0xF4280, s18  }
0x28: {  	s19 =	sxor.u32 @!p1 $0xFFFFFFFF, s13;
	s16 =	sshrl.u32 @!p1 s16, $0x11  }
0x29: {  	s19 =	sshll.u32 @!p1 s19, $0xD;
	s16 =	sand.u32 @!p1 $0x3F, s16;
	s17 =	ssub.s32 @!p1 s17, s18  }
0x2a: {  	s16 =	smul.u32 @!p1 $0x1E850, s16;
	s18 =	sshrl.u32 @!p1 s17, $0x3;
	s17 =	sand.u32 @!p1 $0x7, s17  }
0x2b: {  	s19 =	sand.u32 @!p1 $0x2000, s19;
	s18 =	sadd.s32 @!p1 s2, s18;
	s17 =	sshll.u32 @!p1 s17, $0x12  }
0x2c: {  	s16 =	sadd.s32 @!p1 s16, s18;
	s17 =	sor.u32 @!p1 $0x400, s17;
	s18 =	simm.s32 @!p1 $0x7A1400  }
0x2d: {  	[tilespmem:s19], [sflag:$0x1] =	stream.strided.gather @!p1 [hbm4b:s16+s17], $0x2000, s18, s17, $0x38;
	[tilespmem:$0x8100] =	vst v63  }
0x2e: {  	p1 =	seq.s32 s13, $0x0  }
0x2f: {  	p2 =	sge.u32 @!p1 s13, s7  }
0x30: {  	p1 =	por p1, p2  }
.Ltmp2:
0x31: {  	_ = 	snop;
	(pc) =	sbr.rel @p1 .LBB1_5-.Ltmp2, $1  }
0x32: {  	_ =	sdelay $0x3  }
0x33: {  	s16 =	simm.s32 $0x1  }
0x34: {  	_ =	swait.ge [sflag:s4], $0x2000;
	s16 =	simm.s32 @!p0 $0x0  }
0x35: {  	[sflag:s4] =	ssyncset.done $0x0;
	s17 =	sshll.u32 s16, $0xD  }
0x36: {  	[sflag:s4] =	ssyncadd.s32 $0xFFFFE000;
	s17 =	sor.u32 $0x40, s17  }
0x37: {  	s16 =	smul.u32 $0x8200, s16;
	v0 =	vld [tilespmem:s17+$0x30]  }
0x38: {  	v1 =	vld [tilespmem:s17+$0xFFFFFFD0]  }
0x39: {  	s16 =	sshrl.u32 s16, $0x2;
	v5 =	vld [tilespmem:s17+$0xFFFFFFE0]  }
0x3a: {  	v6 =	vld [tilespmem:s17+$0xFFFFFFF0];
	s19 =	sor.u32 $0x4000, s16  }
0x3b: {  	s31 =	sand.u32 $0x1, s13;
	v4 =	vld [tilespmem:s17+$0x0];
	s18 =	sadd.s32 $0x0, s19  }
0x3c: {  	v3 =	vld [tilespmem:s17+$0x10];
	s16 =	smul.u32 $0x8200, s31;
	[tilespmem:s18+$0x1C70 ss:$0x41] =	vst.msk $0xffff, v0  }
0x3d: {  	v2 =	vld [tilespmem:s17+$0x20];
	[tilespmem:s18+$0x410 ss:$0x41] =	vst.msk $0xffff, v1  }
0x3e: {  	s16 =	sshrl.u32 s16, $0x2;
	v1 =	vld [tilespmem:s17+$0xFFFFFFC0];
	[tilespmem:s18+$0x820 ss:$0x41] =	vst.msk $0xffff, v5;
	s17 =	sadd.s32 $0x80, s17  }
0x3f: {  	s20 =	simm.s32 $0x4;
	s21 =	simm.s32 $0x8;
	s16 =	sor.u32 $0x4000, s16;
	[tilespmem:s18+$0xC30 ss:$0x41] =	vst.msk $0xffff, v6;
	v0 =	vld [tilespmem:s17+$0x30]  }
.LBB1_3:
0x40: {  	p1 =	sne.s32 s21, $0xFC;
	v5 =	vld [tilespmem:s17+$0xFFFFFFD0];
	[tilespmem:s18+$0x1040 ss:$0x41] =	vst.msk $0xffff, v4  }
0x41: {  	v6 =	vld [tilespmem:s17+$0xFFFFFFE0];
	[tilespmem:s18+$0x1450 ss:$0x41] =	vst.msk $0xffff, v3  }
0x42: {  	s22 =	sshra.s32 s20, $0x2;
	s20 =	smov.u32 s21;
	v7 =	vld [tilespmem:s17+$0xFFFFFFF0];
	[tilespmem:s18+$0x1860 ss:$0x41] =	vst.msk $0xffff, v2  }
.Ltmp3:
0x43: {  	v4 =	vld [tilespmem:s17+$0x0];
	[tilespmem:s18+$0x0 ss:$0x41] =	vst.msk $0xffff, v1;
	s18 =	sadd.s32 s22, s19;
	(pc) =	sbr.rel @p1 .LBB1_3-.Ltmp3, $4  }
0x44: {  	v3 =	vld [tilespmem:s17+$0x10];
	[tilespmem:s18+$0x1C70 ss:$0x41] =	vst.msk $0xffff, v0  }
0x45: {  	[tilespmem:s18+$0x410 ss:$0x41] =	vst.msk $0xffff, v5;
	v2 =	vld [tilespmem:s17+$0x20]  }
0x46: {  	v1 =	vld [tilespmem:s17+$0xFFFFFFC0];
	[tilespmem:s18+$0x820 ss:$0x41] =	vst.msk $0xffff, v6;
	s17 =	sadd.s32 $0x80, s17  }
0x47: {  	s21 =	sadd.s32 $0x4, s21;
	v0 =	vld [tilespmem:s17+$0x30];
	[tilespmem:s18+$0xC30 ss:$0x41] =	vst.msk $0xffff, v7  }
0x48: {  	s21 =	sshll.u32 s9, $0x7;
	s22 =	sshll.u32 s10, $0x3;
	s20 =	sshra.s32 s20, $0x2  }
0x49: {  	p1 =	sgt.s32 s9, $0xF41C0;
	s30 =	sshra.s32 s9, $0x1F;
	s25 =	sshra.s32 s10, $0x1F  }
0x4a: {  	v5 =	vld [tilespmem:s17+$0xFFFFFFD0];
	s28 =	sshrl.u32 s10, $0x3;
	s23 =	sand.u32 $0xFFFFFC00, s21;
	s22 =	sand.u32 $0xFFFFFC00, s22  }
0x4b: {  	[tilespmem:s18+$0x1040 ss:$0x41] =	vst.msk $0xffff, v4;
	v58 =	vld [tilespmem:s17+$0xFFFFFFE0];
	s21 =	sand.u32 $0x380, s21;
	s19 =	sadd.s32 s20, s19;
	s22 =	sadd.s32 s22, s23  }
0x4c: {  	v59 =	vld [tilespmem:s17+$0xFFFFFFF0];
	[tilespmem:s18+$0x1450 ss:$0x41] =	vst.msk $0xffff, v3;
	s29 =	sor.u32 s21, s22;
	s21 =	smov.u32 s9;
	s22 =	sand.u32 s30, s9  }
0x4d: {  	v60 =	vld [tilespmem:s17+$0x0];
	[tilespmem:s18+$0x1860 ss:$0x41] =	vst.msk $0xffff, v2;
	s30 =	sand.u32 $0x7, s10;
	s20 =	sshrl.u32 s29, $0x7;
	s21 =	simm.s32 @!p1 $0xF41C0  }
0x4e: {  	v61 =	vld [tilespmem:s17+$0x10];
	[tilespmem:s18+$0x0 ss:$0x41] =	vst.msk $0xffff, v1;
	p1 =	sgt.s32 s10, $0x40;
	s24 =	ssub.s32 s21, s22;
	s21 =	smov.u32 s10  }
0x4f: {  	v62 =	vld [tilespmem:s17+$0x20];
	[tilespmem:s19+$0x1C70 ss:$0x41] =	vst.msk $0xffff, v0;
	s31 =	smulhi.u32 $0x218DEF5, s20;
	s22 =	sand.u32 s25, s10;
	s21 =	simm.s32 @!p1 $0x40  }
0x50: {  	v63 =	vld [tilespmem:s17+$0xFFFFFFC0];
	[tilespmem:s19+$0x410 ss:$0x41] =	vst.msk $0xffff, v5;
	s26 =	sadd.s32 $0xFFF0BE40, s24;
	s17 =	ssub.s32 $0xF4240, s24;
	s21 =	ssub.s32 s21, s22  }
0x51: {  	[tilespmem:s19+$0x820 ss:$0x41] =	vst.msk $0xffff, v58;
	s23 =	sshrl.u32 s31, $0xD;
	p1 =	sgt.s32 s26, $0x7F;
	s27 =	sadd.s32 $0xFFFFFFC0, s21  }
0x52: {  	[tilespmem:s19+$0xC30 ss:$0x41] =	vst.msk $0xffff, v59;
	s23 =	smul.u32 $0xF4240, s23;
	s18 =	ssub.s32 $0x80, s21;
	p2 =	sgt.s32 s27, $0x3F  }
.Ltmp4:
0x53: {  	[tilespmem:s19+$0x1040 ss:$0x41] =	vst.msk $0xffff, v60;
	s17 =	simm.s32 @p1 $0x0;
	s18 =	simm.s32 @p2 $0x0;
	(pc) =	sbr.rel .LBB1_5-.Ltmp4, $4  }
0x54: {  	s29 =	sand.u32 $0xF, s28;
	[tilespmem:s19+$0x1450 ss:$0x41] =	vst.msk $0xffff, v61;
	s20 =	ssub.s32 s20, s23;
	s17 =	smul.u32 s18, s17  }
0x55: {  	[tilespmem:s19+$0x1860 ss:$0x41] =	vst.msk $0xffff, v62;
	s21 =	sshll.u32 s30, $0x12;
	s20 =	sshll.u32 s20, $0x4;
	s18 =	sadd.s32 s5, s29  }
0x56: {  	[tilespmem:s19+$0x0 ss:$0x41] =	vst.msk $0xffff, v63;
	s31 =	sor.u32 $0x40, s21;
	s18 =	sadd.s32 s20, s18;
	s17 =	sand.u32 $0x3FFFFFFF, s17  }
0x57: {  	[hbm4b:s18+s31] =	stream.strided.scatter [tilespmem:s16], [sflag:$0x2], s17, s8, s31, $0x18;
	[tilespmem:$0x8100] =	vst v63  }
.LBB1_6:
0x58: {  	_ =	sfence.sel $0x180000  }
0x59: {  	s2 =	simm.s32 $0x1;
	[bflag:$0x0] =	sbarrier.arrive $0xFFFF  }
0x5a: {  	s31 =	simm.s32 $0x2;
	[sflag:s2] =	ssyncpa.u1 $0x1  }
0x5b: {  	[sflag:s31] =	ssyncpa.u1 $0x1  }
0x5c: {  	p0 =	sne.s32 s1, $0x0;
	_ =	strace $0x90000047  }
0x5d: {  	s0 =	sadd.s32 @!p0 $0x100000, s0;
	[bflag:$0x2] =	sbarrier.arrive $0xFFFF  }
0x5e: {  	[sflag:s0] =	ssyncadd.tile.s32 @!p0 $0x1;
	_ =	shalt  }
.Lfunc_end1:
_tile_overlayer_lowered:
.L_overlay_start_2:
0x5f: {  	(tag) =	ssettag $0x2  }
0x60: {  	s0 =	rddreg [dreg:$0x0];
	s2 =	stileid.u32  }
0x61: {  	s1 =	rddreg [dreg:$0x1];
	p0 =	sne.s32 s2, $0x0  }
0x62: {  	s3 =	rddreg [dreg:$0x2];
	[bflag:$0x3] =	sbarrier.arrive $0xFFFF;
	s2 =	simm.s32 @!p0 $0x1C01  }
0x63: {  	[timem:s3], [sflag:s2] =	dma.local @!p0 [hbm:s0], s1  }
0x64: {  	s0 =	simm.s32 @!p0 $0x1  }
0x65: {  	_ =	swait.ge @!p0 [sflag:s0], s1  }
0x66: {  	s1 =	ssub.s32 @!p0 $0x0, s1;
	[sflag:s0] =	ssyncset.done @!p0 $0x0  }
0x67: {  	[sflag:s0] =	ssyncadd.s32 @!p0 s1  }
0x68: {  	[bflag:$0x3] =	sbarrier.arrive $0xFFFF  }
0x69: {  	_ =	shalt  }

// kernel: sparse-core-data-format-call.cloned.1.call-start
scs
called_computation_lowered:
.L_overlay_start_0:
0x0: {  	s2 =	sld [smem:$0x3FD9]  }
0x1: {  	s3 =	sld [smem:$0x3FFE];
	_ =	sdelay $0x1  }
0x2: {  	s1 =	srdreg.scid  }
0x3: {  	s0 =	sand.u32 $0x1, s1  }
0x4: {  	s18 =	sshll.u32 s0, $0xA;
	s2 =	sadd.s32 s3, s2  }
0x5: {  	s2 =	sadd.s32 s2, s18  }
0x6: {  	[smem:$0x3FC6] =	sst s2  }
0x7: {  	_ = 	snop  }
0x8: {  	s2 =	sld [smem:$0x3FD0];
	(tm) =	ssettm $0x1  }
0x9: {  	s19 =	sld [smem:$0x3FFB];
	_ =	sdelay $0x3  }
0xa: {  	_ =	strace s19  }
0xb: {  	s3 =	sld [smem:$0x3FFC];
	_ =	sdelay $0x3  }
0xc: {  	_ =	strace s3  }
0xd: {  	s3 =	sld [smem:$0x3FFD];
	_ =	sdelay $0x3  }
0xe: {  	_ =	strace s3  }
0xf: {  	_ =	strace $0x8FFFFFFF  }
0x10: {  	s20 =	sld [smem:$0x3FDB];
	_ =	sdelay $0x1  }
0x11: {  	s4 =	simm.s32 $_scs_section_size  }
0x12: {  	s5 =	simm.s32 $_size__tile_overlayer_lowered;
	s6 =	simm.s32 $_tile_overlayer_lowered  }
0x13: {  	s23 =	simm.s32 $0x1BFF;
	s22 =	sshll.u32 s6, $0x1;
	s3 =	sadd.s32 s4, s20  }
0x14: {  	s7 =	simm.s32 $0x0;
	s21 =	sshll.u32 s5, $0x1;
	s5 =	sadd.s32 s22, s3  }
0x15: {  	[timem:s7], [sflag:s23] =	dma.local [hbm:s5], s21  }
0x16: {  	_ =	swait.ge [sflag:s23], s21  }
0x17: {  	s4 =	ssub.s32 $0x0, s21;
	[sflag:s23] =	ssyncset.done $0x0  }
0x18: {  	[sflag:s23] =	ssyncadd.s32 s4;
	_ =	sdelay $0x1  }
0x19: {  	s24 =	simm.s32 $0x1B8B  }
0x1a: {  	_ =	swait.ge [sflag:s24], $0x1  }
0x1b: {  	[sflag:s24] =	ssyncset.done $0x0  }
0x1c: {  	s26 =	simm.s32 $0x1B8E;
	s25 =	sld [smem:$0x3FFE];
	[sflag:s24] =	ssyncadd.s32 $0xFFFFFFFF  }
0x1d: {  	s27 =	simm.s32 $execute0_lowered;
	[smem:$0x3FD2] =	sst s26  }
0x1e: {  	s5 =	sshll.u32 s27, $0x1;
	_ =	strace $0x8000004C;
	[dreg:$0x1] =	wrdreg $0xFFFFFFFF  }
0x1f: {  	s28 =	simm.s32 $_size_execute0_lowered;
	s3 =	sadd.s32 s3, s5;
	[dreg:$0x0] =	wrdreg $0x0  }
0x20: {  	s5 =	sshll.u32 s28, $0x1;
	[dreg:$0x2] =	wrdreg s3  }
0x21: {  	[dreg:$0x3] =	wrdreg s5  }
0x22: {  	[dreg:$0x4] =	wrdreg $0xC0  }
0x23: {  	_ =	task [dreg:s7], $0x5FFFF  }
0x24: {  	[dreg:$0x1] =	wrdreg $0xFFFFFFFF  }
0x25: {  	[dreg:$0x0] =	wrdreg $0x60  }
0x26: {  	[dreg:$0x2] =	wrdreg s25  }
0x27: {  	[dreg:$0x3] =	wrdreg s2  }
0x28: {  	[dreg:$0x4] =	wrdreg $0x9  }
0x29: {  	_ =	task.clear_ibuf [dreg:s7], $0x5FFFF;
	_ =	strace $0x9000004C  }
0x2a: {  	s29 =	simm.s32 $0x9;
	_ =	strace $0x8000004E  }
0x2b: {  	_ =	swait.ge [sflag:s29], $0x1  }
0x2c: {  	[sflag:s29] =	ssyncadd.s32 $0xFFFFFFFF  }
0x2d: {  	_ =	strace $0x9000004E  }
0x2e: {  	_ =	sfence  }
0x2f: {  	s30 =	sld [smem:$0x0];
	_ =	sdelay $0x2  }
0x30: {  	s31 =	sshll.u32 s1, $0xD;
	s1 =	sshrl.u32 s1, $0x2  }
0x31: {  	s3 =	sand.u32 $0x4000, s31;
	s1 =	sadd.s32 s1, s30  }
0x32: {  	s0 =	sor.u32 s3, s0;
	s1 =	sshll.u32 s1, $0x11  }
0x33: {  	s0 =	sor.u32 s1, s0  }
0x34: {  	s0 =	sadd.s32 $0x8F2B, s0  }
0x35: {  	[sflag:s0] =	ssyncadd.remote.s32 $0x1  }
0x36: {  	_ =	sfence.sel $0xFFFF  }
0x37: {  	[dreg:$0x0] =	wrdreg $0xFFFFFFFF;
	(pc) =	sbr.abs _section_cstart, $3  }
0x38: {  	[dreg:$0x1] =	wrdreg $0xFFFFFFFF  }
0x39: {  	_ =	task.clear_ibuf [dreg:s7], $0x2FFFF;
	_ =	strace $0x9FFFFFFF  }
0x3a: {  	(tm) =	ssettm $0x7FFFFFFF  }
0x3b: {  	_ =	shalt  }
tec
execute0_lowered:
.L_overlay_start_1:
0x0: {  	(tag) =	ssettag $0x1  }
0x1: {  	s0 =	srdreg.scid  }
0x2: {  	s1 =	sshll.u32 s0, $0x4  }
0x3: {  	s0 =	stileid.u32;
	s1 =	sand.u32 $0x10, s1  }
0x4: {  	s1 =	sor.u32 s0, s1  }
0x5: {  	s6 =	rddreg [dreg:$0x0];
	s4 =	simm.s32 $0x1;
	s2 =	sshll.u32 s1, $0x7  }
0x6: {  	s7 =	simm.s32 $0x2;
	s12 =	simm.s32 $0x0;
	s1 =	ssub.s32 $0x4000, s2  }
0x7: {  	s8 =	simm.s32 $0x20000;
	s13 =	simm.s32 $0x0;
	s3 =	sand.u32 $0xF80, s1  }
0x8: {  	s9 =	simm.s32 $0x0;
	s5 =	sshrl.u32 s1, $0xC;
	p0 =	sne.s32 s3, $0x0  }
.Ltmp0:
0x9: {  	s1 =	rddreg [dreg:$0x2];
	s4 =	simm.s32 @!p0 $0x0;
	(pc) =	sbr.rel .LBB1_1-.Ltmp0, $4  }
0xa: {  	s11 =	simm.s32 $0x0;
	s3 =	rddreg [dreg:$0x1];
	s5 =	sadd.s32 s4, s5  }
0xb: {  	_ =	strace $0x8000004D;
	s4 =	simm.s32 $0x1;
	s5 =	smul.u32 $0x1A, s5  }
0xc: {  	s6 =	sadd.s32 $0xE00, s6;
	s10 =	smov.u32 s2;
	[sflag:s4] =	ssyncpa.u1 $0x0  }
0xd: {  	p0 =	por $0x0, $0x0;
	[sflag:s7] =	ssyncpa.u1 $0x0;
	s7 =	sor.u32 $0x1, s5  }
.LBB1_4:
0xe: {  	s16 =	sshll.u32 s13, $0x3;
	s17 =	sand.u32 $0x78, s13  }
0xf: {  	s30 =	sand.u32 $0x1F800, s13;
	s12 =	sshll.u32 s12, $0x11;
	s16 =	sand.u32 $0x3C00, s16  }
0x10: {  	[tilespmem:s15+$0x810 ss:$0x81] =	vst.msk $0xffff, v2;
	s31 =	sand.u32 $0x7, s13;
	s16 =	sor.u32 s17, s16;
	s17 =	sadd.s32 s3, s30  }
0x11: {  	[tilespmem:s15+$0x1020 ss:$0x81] =	vst.msk $0xffff, v0;
	s13 =	sshll.u32 s31, $0x12;
	s12 =	sadd.s32 s12, s17;
	s16 =	sshrl.u32 s16, $0x3  }
0x12: {  	[tilespmem:s15+$0x0 ss:$0x81] =	vst.msk $0xffff, v1;
	s13 =	sor.u32 $0x400, s13;
	s12 =	sadd.s32 s16, s12  }
0x13: {  	[hbm4b:s12+s13] =	stream.strided.scatter [tilespmem:s14], [sflag:$0x2], $0x2000, s8, s13, $0x20;
	[tilespmem:$0x8080] =	vst v63  }
.LBB1_5:
0x14: {  	s14 =	sadd.s32 $0x1, s9  }
0x15: {  	s12 =	sadd.s32 $0x1000, s10;
	s16 =	smov.u32 s10;
	p2 =	sgt.s32 s14, $0x19  }
0x16: {  	s16 =	smov.u32 @p2 s12  }
0x17: {  	s14 =	simm.s32 @p2 $0x0;
	p2 =	sgt.s32 s16, $0x3FFF  }
0x18: {  	s16 =	smov.u32 @p2 s2;
	p2 =	sne.s32 s11, s7  }
.Ltmp1:
0x19: {  	p1 =	slt.u32 s11, $0x2;
	(pc) =	sbr.rel @!p2 .LBB1_6-.Ltmp1, $4  }
0x1a: {  	s15 =	simm.s32 @!p1 $0x2  }
0x1b: {  	s13 =	smov.u32 s10;
	p0 =	por !p0, !p0;
	_ =	swait.ge @!p1 [sflag:s15], $0x2000  }
0x1c: {  	s12 =	smov.u32 s9;
	[sflag:s15] =	ssyncset.done @!p1 $0x0;
	s9 =	smov.u32 s14  }
0x1d: {  	s11 =	sadd.s32 $0x1, s11;
	[sflag:s15] =	ssyncadd.s32 @!p1 $0xFFFFE000;
	s10 =	smov.u32 s16  }
.LBB1_1:
0x1e: {  	p1 =	sge.u32 s11, s5  }
0x1f: {  	s31 =	sadd.s32 $0xFFFFFFFF, s11;
	s14 =	sxor.u32 @!p1 $0xFFFFFFFF, s11  }
0x20: {  	s15 =	sshll.u32 @!p1 s10, $0x9;
	s16 =	sshll.u32 @!p1 s9, $0x4;
	s17 =	simm.s32 @!p1 $0x1000  }
0x21: {  	s14 =	sshll.u32 @!p1 s14, $0xD;
	s16 =	sand.u32 @!p1 $0x1F0, s16;
	s15 =	sadd.s32 @!p1 s6, s15  }
0x22: {  	s14 =	sand.u32 @!p1 $0x2000, s14;
	s15 =	sadd.s32 @!p1 s16, s15;
	s16 =	simm.s32 @!p1 $0x40  }
0x23: {  	[tilespmem:s14], [sflag:$0x1] =	stream.strided.gather @!p1 [hbm4b:s15+s16], $0x2000, s17, s16, $0x38;
	[tilespmem:$0x8080] =	vst v63  }
0x24: {  	p1 =	sge.u32 s31, s5  }
.Ltmp2:
0x25: {  	_ = 	snop;
	(pc) =	sbr.rel @p1 .LBB1_5-.Ltmp2, $1  }
0x26: {  	_ =	sdelay $0x3  }
0x27: {  	s14 =	simm.s32 $0x1  }
0x28: {  	_ =	swait.ge [sflag:s4], $0x2000;
	s14 =	simm.s32 @!p0 $0x0  }
0x29: {  	[sflag:s4] =	ssyncset.done $0x0;
	s15 =	sshll.u32 s14, $0xD  }
0x2a: {  	[sflag:s4] =	ssyncadd.s32 $0xFFFFE000;
	s18 =	sor.u32 $0x20, s15  }
0x2b: {  	s14 =	smul.u32 $0x8100, s14;
	v3 =	vld [tilespmem:s18+$0x10]  }
0x2c: {  	s30 =	sand.u32 $0x1, s11;
	v2 =	vld [tilespmem:s18+$0xFFFFFFF0]  }
0x2d: {  	s15 =	smul.u32 $0x8100, s30;
	s14 =	sshrl.u32 s14, $0x2;
	v0 =	vld [tilespmem:s18+$0x0]  }
0x2e: {  	v1 =	vld [tilespmem:s18+$0xFFFFFFE0];
	s16 =	sor.u32 $0x4000, s14  }
0x2f: {  	s31 =	sshrl.u32 s15, $0x2;
	s15 =	sadd.s32 $0x0, s16  }
0x30: {  	s17 =	simm.s32 $0x4;
	s18 =	sadd.s32 $0x40, s18;
	s14 =	sor.u32 $0x4000, s31;
	[tilespmem:s15+$0x1830 ss:$0x81] =	vst.msk $0xffff, v3  }
.LBB1_3:
0x31: {  	v3 =	vld [tilespmem:s18+$0x10];
	p1 =	sne.s32 s17, $0x1FC;
	[tilespmem:s15+$0x810 ss:$0x81] =	vst.msk $0xffff, v2;
	s19 =	smov.u32 s17;
	s17 =	sadd.s32 $0x4, s17  }
.Ltmp3:
0x32: {  	v2 =	vld [tilespmem:s18+$0xFFFFFFF0];
	[tilespmem:s15+$0x1020 ss:$0x81] =	vst.msk $0xffff, v0;
	(pc) =	sbr.rel @p1 .LBB1_3-.Ltmp3, $4  }
0x33: {  	v0 =	vld [tilespmem:s18+$0x0];
	[tilespmem:s15+$0x0 ss:$0x81] =	vst.msk $0xffff, v1  }
0x34: {  	s15 =	sshra.s32 s19, $0x2;
	v1 =	vld [tilespmem:s18+$0xFFFFFFE0]  }
0x35: {  	s15 =	sadd.s32 s15, s16  }
0x36: {  	s18 =	sadd.s32 $0x40, s18;
	[tilespmem:s15+$0x1830 ss:$0x81] =	vst.msk $0xffff, v3  }
.Ltmp4:
0x37: {  	_ = 	snop;
	(pc) =	sbr.rel .LBB1_4-.Ltmp4, $1  }
0x38: {  	_ =	sdelay $0x3  }
.LBB1_6:
0x39: {  	_ =	sfence.sel $0x180000  }
0x3a: {  	s2 =	simm.s32 $0x1;
	[bflag:$0x0] =	sbarrier.arrive $0xFFFF  }
0x3b: {  	s31 =	simm.s32 $0x2;
	[sflag:s2] =	ssyncpa.u1 $0x1  }
0x3c: {  	[sflag:s31] =	ssyncpa.u1 $0x1  }
0x3d: {  	p0 =	sne.s32 s0, $0x0;
	_ =	strace $0x9000004D  }
0x3e: {  	s0 =	sadd.s32 @!p0 $0x100000, s1;
	[bflag:$0x2] =	sbarrier.arrive $0xFFFF  }
0x3f: {  	[sflag:s0] =	ssyncadd.tile.s32 @!p0 $0x1;
	_ =	shalt  }
.Lfunc_end1:
_tile_overlayer_lowered:
.L_overlay_start_2:
0x40: {  	(tag) =	ssettag $0x2  }
0x41: {  	s0 =	rddreg [dreg:$0x0];
	s2 =	stileid.u32  }
0x42: {  	s1 =	rddreg [dreg:$0x1];
	p0 =	sne.s32 s2, $0x0  }
0x43: {  	s3 =	rddreg [dreg:$0x2];
	[bflag:$0x3] =	sbarrier.arrive $0xFFFF;
	s2 =	simm.s32 @!p0 $0x1C01  }
0x44: {  	[timem:s3], [sflag:s2] =	dma.local @!p0 [hbm:s0], s1  }
0x45: {  	s0 =	simm.s32 @!p0 $0x1  }
0x46: {  	_ =	swait.ge @!p0 [sflag:s0], s1  }
0x47: {  	s1 =	ssub.s32 @!p0 $0x0, s1;
	[sflag:s0] =	ssyncset.done @!p0 $0x0  }
0x48: {  	[sflag:s0] =	ssyncadd.s32 @!p0 s1  }
0x49: {  	[bflag:$0x3] =	sbarrier.arrive $0xFFFF  }
0x4a: {  	_ =	shalt  }

</sc_bundles>
